<compile_context>
chip_gen: v7x
topology: tpu7x:2x2x1
jax: 0.10.2.dev20260603
libtpu: 0.0.44.dev20260713+nightly
codegen_flags: <defaults>
</compile_context>

<pallas_src>
import functools

import jax
import jax.numpy as jnp
from jax import lax
from jax.experimental import pallas as pl
from jax.experimental.pallas import tpu as pltpu
from jax.experimental.pallas import tpu_sc as plsc

N = 10000
NP = 10240
E = 320000
D = 128
DA = 144
NG = 16
NC = 2
NS = 16
TILES = NC * NS
EPT = E // TILES
GRP = 80
NCHUNK = EPT // GRP
NSUP = 5
CPS = NCHUNK // NSUP
STRIPE = NP // NS
RCH = 32


def _pre_body(x_ref, w_ref, asrc_ref, adst_ref, haug_ref, ad16_ref,
              selfw_ref):
    h = jnp.dot(x_ref[...], w_ref[...], preferred_element_type=jnp.float32)
    haug_ref[:, 0:D] = h
    a_s = jnp.sum(h * asrc_ref[...], axis=1, keepdims=True)
    a_d = jnp.sum(h * adst_ref[...], axis=1, keepdims=True)
    lane = lax.broadcasted_iota(jnp.int32, (N, DA - D), 1)
    haug_ref[:, D:DA] = jnp.where(lane == 0, 1.0,
                                  jnp.where(lane == 1, a_s, 0.0))
    ad16_ref[...] = jnp.where(lane == 0, a_d, 0.0)
    z = a_s + a_d
    z = jnp.maximum(z, 0.2 * z)
    selfw_ref[...] = 2.0 * jnp.exp(z)


_pre = pl.pallas_call(
    _pre_body,
    out_shape=(
        jax.ShapeDtypeStruct((N, DA), jnp.float32),
        jax.ShapeDtypeStruct((N, 16), jnp.float32),
        jax.ShapeDtypeStruct((N, 1), jnp.float32),
    ),
)


def _sc_body(haug_hbm, ad16_hbm, src2_hbm, dst2_hbm, zrow_hbm, parts_hbm,
             srcv, dstv, exv, augA, augB, adA, adB, acc,
             semga, semgb, semsa, semsb):
    c = lax.axis_index("c")
    s = lax.axis_index("s")
    tid = c * NS + s

    pltpu.sync_copy(zrow_hbm, acc.at[pl.ds(s * STRIPE, STRIPE)])

    plsc.subcore_barrier()

    def fire_g(k, aug, ad, sem):
        pltpu.async_copy(haug_hbm.at[srcv.at[k]], aug, sem)
        pltpu.async_copy(ad16_hbm.at[dstv.at[k]], ad, sem)

    def wait_g(aug, ad, sem):
        pltpu.make_async_copy(haug_hbm.at[pl.ds(0, GRP)], aug, sem).wait()
        pltpu.make_async_copy(ad16_hbm.at[pl.ds(0, GRP)], ad, sem).wait()

    def fire_s(k, aug, sem):
        pltpu.async_copy(aug, acc.at[dstv.at[k]], sem, add=True)

    def wait_s(aug, sem):
        pltpu.make_async_copy(haug_hbm.at[pl.ds(0, GRP)], aug, sem).wait()

    def compute(aug, ad):
        @plsc.parallel_loop(0, GRP // 16)
        def _grp(g):
            idx_e = g * 16 + lax.iota(jnp.int32, 16)
            z = (plsc.load_gather(aug, [idx_e, jnp.full((16,), D + 1,
                                                        jnp.int32)])
                 + plsc.load_gather(ad, [idx_e, jnp.zeros((16,),
                                                          jnp.int32)]))
            z = jnp.maximum(z, 0.2 * z)
            ex16 = jnp.exp(z)

            @plsc.parallel_loop(0, DA, unroll=8)
            def _cols(d):
                dcol = jnp.full((16,), d, jnp.int32)
                v = plsc.load_gather(aug, [idx_e, dcol])
                plsc.store_scatter(aug, [idx_e, dcol], v * ex16)

    def process(k, aug, ad, semg, o_aug, o_ad, o_semg, o_sems, first):
        wait_g(aug, ad, semg)
        if first:
            @pl.when(k > 0)
            def _():
                wait_s(o_aug, o_sems)
        else:
            wait_s(o_aug, o_sems)
        fire_g(k + 1, o_aug, o_ad, o_semg)
        compute(aug, ad)

    @pl.loop(0, NSUP)
    def _super(q):
        rbase = tid * NCHUNK + q * CPS
        pltpu.sync_copy(src2_hbm.at[pl.ds(rbase, CPS)], srcv)
        pltpu.sync_copy(dst2_hbm.at[pl.ds(rbase, CPS)], dstv)
        fire_g(0, augA, adA, semga)

        @pl.loop(0, (CPS - 1) // 2)
        def _pipe(i):
            k0 = 2 * i
            process(k0, augA, adA, semga, augB, adB, semgb, semsb, True)
            fire_s(k0, augA, semsa)
            process(k0 + 1, augB, adB, semgb, augA, adA, semga, semsa,
                    False)
            fire_s(k0 + 1, augB, semsb)

        wait_g(augA, adA, semga)
        compute(augA, adA)
        wait_s(augB, semsb)
        fire_s(CPS - 1, augA, semsa)
        wait_s(augA, semsa)

    plsc.subcore_barrier()

    pltpu.sync_copy(acc.at[pl.ds(s * STRIPE, STRIPE)],
                    parts_hbm.at[c, pl.ds(s * STRIPE, STRIPE)])


_sc_edge = pl.kernel(
    _sc_body,
    out_type=jax.ShapeDtypeStruct((NC, NP, DA), jnp.float32),
    mesh=plsc.VectorSubcoreMesh(core_axis_name="c", subcore_axis_name="s"),
    compiler_params=pltpu.CompilerParams(use_tc_tiling_on_sc=False,
                                         needs_layout_passes=False),
    scratch_types=[
        pltpu.VMEM((CPS, GRP), jnp.int32),
        pltpu.VMEM((CPS, GRP), jnp.int32),
        pltpu.VMEM((GRP,), jnp.float32),
        pltpu.VMEM((GRP, DA), jnp.float32),
        pltpu.VMEM((GRP, DA), jnp.float32),
        pltpu.VMEM((GRP, 16), jnp.float32),
        pltpu.VMEM((GRP, 16), jnp.float32),
        pltpu.VMEM_SHARED((NP, DA), jnp.float32),
        pltpu.SemaphoreType.DMA,
        pltpu.SemaphoreType.DMA,
        pltpu.SemaphoreType.DMA,
        pltpu.SemaphoreType.DMA,
    ],
)


def _post_body(parts_ref, haug_ref, selfw_ref, batch_ref, bias_ref, wfc_ref,
               bfc_ref, res_ref):
    accs = parts_ref[0, 0:N, :] + parts_ref[1, 0:N, :]
    h = haug_ref[:, 0:D]
    selfw = selfw_ref[...]
    num = accs[:, 0:D] + selfw * h
    den = accs[:, D:D + 1] + selfw + 1e-16
    out = num / den + bias_ref[...]
    x2 = jnp.where(out > 0, out, jnp.exp(out) - 1.0)
    gid = lax.broadcasted_iota(jnp.int32, (NG, N), 0)
    onehot = jnp.where(gid == batch_ref[...], 1.0, 0.0).astype(jnp.float32)
    pooled_sum = jnp.dot(onehot, x2, preferred_element_type=jnp.float32)
    cnt = jnp.sum(onehot, axis=1, keepdims=True)
    pooled = pooled_sum / jnp.maximum(cnt, 1.0)
    res_ref[...] = (jnp.dot(pooled, wfc_ref[...],
                            preferred_element_type=jnp.float32)
                    + bfc_ref[...])


_post = pl.pallas_call(
    _post_body,
    out_shape=jax.ShapeDtypeStruct((NG, 1), jnp.float32),
)


def kernel(x, edge_index, edge_attr, batch, W, att_src, att_dst, bias, Wfc,
           bfc):
    del edge_attr
    src2 = edge_index[0].astype(jnp.int32).reshape(E // GRP, GRP)
    dst2 = edge_index[1].astype(jnp.int32).reshape(E // GRP, GRP)
    haug, ad16, selfw = _pre(x, W, att_src.reshape(1, D),
                             att_dst.reshape(1, D))
    zrow = jnp.zeros((STRIPE, DA), jnp.float32)
    parts = _sc_edge(haug, ad16, src2, dst2, zrow)
    res = _post(parts, haug, selfw, batch.astype(jnp.int32).reshape(1, N),
                bias.reshape(1, D), Wfc, bfc.reshape(1, 1))
    return res.reshape(-1)

# --- scband reference (transcript-rebuilt; emitter-appended) ---
"""Pipeline reference for scband-variant3-5970004542119 (READ-ONLY COPY).

The authoritative reference and input builder live on the scoring server;
editing this copy changes nothing except your own understanding.
"""

import jax, jax.numpy as jnp
import numpy as np

N_NODES = 10000
N_EDGES = 320000
D_IN = 128
D_HID = 128
N_GRAPHS = 16

def setup_inputs(seed: int = 0) -> dict:
    key = jax.random.key(seed)
    k1, k2, k3, k4, k5, k6, k7, k8 = jax.random.split(key, 8)
    x = jax.random.normal(k1, (N_NODES, D_IN), dtype=jnp.float32)
    edge_index = jax.random.randint(k2, (2, N_EDGES), 0, N_NODES, dtype=jnp.int64)
    edge_attr = jax.random.normal(k3, (N_EDGES, 4), dtype=jnp.float32)
    batch = jnp.sort(jax.random.randint(k4, (N_NODES,), 0, N_GRAPHS, dtype=jnp.int64))
    W = jax.random.normal(k5, (D_IN, D_HID), dtype=jnp.float32) * (1.0 / np.sqrt(D_IN))
    att_src = jax.random.normal(k6, (D_HID,), dtype=jnp.float32) * 0.1
    att_dst = jax.random.normal(k7, (D_HID,), dtype=jnp.float32) * 0.1
    bias = jnp.zeros((D_HID,), dtype=jnp.float32)
    Wfc = jax.random.normal(k8, (D_HID, 1), dtype=jnp.float32) * (1.0 / np.sqrt(D_HID))
    bfc = jnp.zeros((1,), dtype=jnp.float32)
    return {"x": x, "edge_index": edge_index, "edge_attr": edge_attr, "batch": batch,
            "W": W, "att_src": att_src, "att_dst": att_dst, "bias": bias,
            "Wfc": Wfc, "bfc": bfc}

def reference(x, edge_index, edge_attr, batch, W, att_src, att_dst, bias, Wfc, bfc):
    N = x.shape[0]
    loops = jnp.arange(N, dtype=edge_index.dtype)
    loop_ei = jnp.stack([loops, loops])
    # explicit add_self_loops in forward
    ei = jnp.concatenate([edge_index, loop_ei], axis=1)
    # GATConv default add_self_loops=True adds them again internally
    ei = jnp.concatenate([ei, loop_ei], axis=1)
    src, dst = ei[0], ei[1]
    h = x @ W  # [N, D_HID], single head
    a_s = (h * att_src).sum(-1)
    a_d = (h * att_dst).sum(-1)
    e = jax.nn.leaky_relu(a_s[src] + a_d[dst], negative_slope=0.2)
    # softmax over incoming edges per destination node
    m = jax.ops.segment_max(e, dst, num_segments=N)
    ex = jnp.exp(e - m[dst])
    den = jax.ops.segment_sum(ex, dst, num_segments=N)
    alpha = ex / (den[dst] + 1e-16)
    out = jax.ops.segment_sum(alpha[:, None] * h[src], dst, num_segments=N) + bias
    x2 = jax.nn.elu(out)
    # global_mean_pool
    s = jax.ops.segment_sum(x2, batch, num_segments=N_GRAPHS)
    cnt = jax.ops.segment_sum(jnp.ones((N,), dtype=x2.dtype), batch, num_segments=N_GRAPHS)
    pooled = s / jnp.maximum(cnt, 1.0)[:, None]
    res = pooled @ Wfc + bfc
    return res.reshape(-1)

if __name__ == "__main__":
    import jax
    _d = setup_inputs()
    print(jax.jit(kernel)(*tuple(_d.values())))

</pallas_src>

<mosaic_0001>
#map = affine_map<(d0, d1) -> (0, 0)>
#map1 = affine_map<(d0, d1) -> (0, 0, 0)>
module attributes {stable_mosaic.version = 14 : i64} {
  func.func @_sc_body(%arg0: i32, %arg1: i32, %arg2: memref<10000x144xf32, #tpu.memory_space<hbm>>, %arg3: memref<10000x16xf32, #tpu.memory_space<hbm>>, %arg4: memref<4000x80xi32, #tpu.memory_space<hbm>>, %arg5: memref<4000x80xi32, #tpu.memory_space<hbm>>, %arg6: memref<640x144xf32, #tpu.memory_space<hbm>>, %arg7: memref<2x10240x144xf32, #tpu.memory_space<hbm>>, %arg8: memref<25x80xi32, #tpu.memory_space<vmem>>, %arg9: memref<25x80xi32, #tpu.memory_space<vmem>>, %arg10: memref<80xf32, #tpu.memory_space<vmem>>, %arg11: memref<80x144xf32, #tpu.memory_space<vmem>>, %arg12: memref<80x144xf32, #tpu.memory_space<vmem>>, %arg13: memref<80x16xf32, #tpu.memory_space<vmem>>, %arg14: memref<80x16xf32, #tpu.memory_space<vmem>>, %arg15: memref<10240x144xf32, #tpu.memory_space<vmem_shared>>, %arg16: memref<!tpu.dma_semaphore, #tpu.memory_space<semaphore_mem>>, %arg17: memref<!tpu.dma_semaphore, #tpu.memory_space<semaphore_mem>>, %arg18: memref<!tpu.dma_semaphore, #tpu.memory_space<semaphore_mem>>, %arg19: memref<!tpu.dma_semaphore, #tpu.memory_space<semaphore_mem>>) attributes {dimension_semantics = [#tpu.dimension_semantics<core_parallel>, #tpu.dimension_semantics<subcore_parallel>], iteration_bounds = array<i64: 2, 16>, scalar_prefetch = 0 : i64, scratch_operands = 12 : i64, tpu.core_type = #tpu.core_type<sc_vector_subcore>, window_params = [{transform_indices = #map}, {transform_indices = #map}, {transform_indices = #map}, {transform_indices = #map}, {transform_indices = #map}, {transform_indices = #map1}]} {
    %mul3A = arith.constant 16 : i32
    %mul3A_0 = arith.muli %arg0, %mul3A : i32
    %add3A = arith.addi %mul3A_0, %arg1 : i32
    %mul3A_1 = arith.constant 640 : i32
    %mul3A_2 = arith.muli %arg1, %mul3A_1 : i32
    "tpu.region"() ({
      %run_scoped3A = tpu.sem_alloc : memref<!tpu.dma_semaphore, #tpu.memory_space<semaphore_mem>>
      %dma_start3A = arith.constant 0 : i32
      %dma_start3A_12 = tpu.memref_slice %arg15[%mul3A_2, %dma_start3A] : memref<10240x144xf32, #tpu.memory_space<vmem_shared>> -> memref<640x144xf32, #tpu.memory_space<vmem_shared>>
      tpu.enqueue_dma source(%arg6 : memref<640x144xf32, #tpu.memory_space<hbm>>) target(%dma_start3A_12 : memref<640x144xf32, #tpu.memory_space<vmem_shared>>) target_semaphore(%run_scoped3A : memref<!tpu.dma_semaphore, #tpu.memory_space<semaphore_mem>>)
      %dma_wait3A = arith.constant 0 : i32
      %dma_wait3A_13 = tpu.memref_slice %arg15[%mul3A_2, %dma_wait3A] : memref<10240x144xf32, #tpu.memory_space<vmem_shared>> -> memref<640x144xf32, #tpu.memory_space<vmem_shared>>
      tpu.wait_dma2 semaphore(%run_scoped3A : memref<!tpu.dma_semaphore, #tpu.memory_space<semaphore_mem>>) src(%arg6 : memref<640x144xf32, #tpu.memory_space<hbm>>) dst(%dma_wait3A_13 : memref<640x144xf32, #tpu.memory_space<vmem_shared>>)
      tpu.yield
    }) : () -> ()
    %barrier3A = arith.constant 0 : index
    tpu.barrier barrier_id(%barrier3A)
    %scan3A = arith.constant 0 : i32
    %scan3A_3 = arith.constant 5 : i32
    %scan3A_4 = arith.addi %scan3A, %scan3A_3 : i32
    %scan3A_5 = arith.constant 1 : i32
    scf.for %scan3A_12 = %scan3A to %scan3A_4 step %scan3A_5  : i32 {
      %mul3A_13 = arith.constant 1 : i32
      %mul3A_14 = arith.muli %scan3A_12, %mul3A_13 : i32
      %add3A_15 = arith.constant 0 : i32
      %add3A_16 = arith.addi %add3A_15, %mul3A_14 : i32
      %mul3A_17 = arith.constant 125 : i32
      %mul3A_18 = arith.muli %add3A, %mul3A_17 : i32
      %mul3A_19 = arith.constant 25 : i32
      %mul3A_20 = arith.muli %add3A_16, %mul3A_19 : i32
      %add3A_21 = arith.addi %mul3A_18, %mul3A_20 : i32
      "tpu.region"() ({
        %run_scoped3A = tpu.sem_alloc : memref<!tpu.dma_semaphore, #tpu.memory_space<semaphore_mem>>
        %dma_start3A_72 = arith.constant 0 : i32
        %dma_start3A_73 = tpu.memref_slice %arg4[%add3A_21, %dma_start3A_72] : memref<4000x80xi32, #tpu.memory_space<hbm>> -> memref<25x80xi32, #tpu.memory_space<hbm>>
        %dma_start3A_74 = arith.constant 0 : i32
        %dma_start3A_75 = tpu.memref_slice %arg4[%add3A_21, %dma_start3A_74] : memref<4000x80xi32, #tpu.memory_space<hbm>> -> memref<25x80xi32, #tpu.memory_space<hbm>>
        tpu.enqueue_dma source(%dma_start3A_75 : memref<25x80xi32, #tpu.memory_space<hbm>>) target(%arg8 : memref<25x80xi32, #tpu.memory_space<vmem>>) target_semaphore(%run_scoped3A : memref<!tpu.dma_semaphore, #tpu.memory_space<semaphore_mem>>)
        %dma_wait3A_76 = arith.constant 0 : i32
        %dma_wait3A_77 = tpu.memref_slice %arg4[%add3A_21, %dma_wait3A_76] : memref<4000x80xi32, #tpu.memory_space<hbm>> -> memref<25x80xi32, #tpu.memory_space<hbm>>
        %dma_wait3A_78 = arith.constant 0 : i32
        %dma_wait3A_79 = tpu.memref_slice %arg4[%add3A_21, %dma_wait3A_78] : memref<4000x80xi32, #tpu.memory_space<hbm>> -> memref<25x80xi32, #tpu.memory_space<hbm>>
        tpu.wait_dma2 semaphore(%run_scoped3A : memref<!tpu.dma_semaphore, #tpu.memory_space<semaphore_mem>>) src(%dma_wait3A_79 : memref<25x80xi32, #tpu.memory_space<hbm>>) dst(%arg8 : memref<25x80xi32, #tpu.memory_space<vmem>>)
        tpu.yield
      }) : () -> ()
      "tpu.region"() ({
        %run_scoped3A = tpu.sem_alloc : memref<!tpu.dma_semaphore, #tpu.memory_space<semaphore_mem>>
        %dma_start3A_72 = arith.constant 0 : i32
        %dma_start3A_73 = tpu.memref_slice %arg5[%add3A_21, %dma_start3A_72] : memref<4000x80xi32, #tpu.memory_space<hbm>> -> memref<25x80xi32, #tpu.memory_space<hbm>>
        %dma_start3A_74 = arith.constant 0 : i32
        %dma_start3A_75 = tpu.memref_slice %arg5[%add3A_21, %dma_start3A_74] : memref<4000x80xi32, #tpu.memory_space<hbm>> -> memref<25x80xi32, #tpu.memory_space<hbm>>
        tpu.enqueue_dma source(%dma_start3A_75 : memref<25x80xi32, #tpu.memory_space<hbm>>) target(%arg9 : memref<25x80xi32, #tpu.memory_space<vmem>>) target_semaphore(%run_scoped3A : memref<!tpu.dma_semaphore, #tpu.memory_space<semaphore_mem>>)
        %dma_wait3A_76 = arith.constant 0 : i32
        %dma_wait3A_77 = tpu.memref_slice %arg5[%add3A_21, %dma_wait3A_76] : memref<4000x80xi32, #tpu.memory_space<hbm>> -> memref<25x80xi32, #tpu.memory_space<hbm>>
        %dma_wait3A_78 = arith.constant 0 : i32
        %dma_wait3A_79 = tpu.memref_slice %arg5[%add3A_21, %dma_wait3A_78] : memref<4000x80xi32, #tpu.memory_space<hbm>> -> memref<25x80xi32, #tpu.memory_space<hbm>>
        tpu.wait_dma2 semaphore(%run_scoped3A : memref<!tpu.dma_semaphore, #tpu.memory_space<semaphore_mem>>) src(%dma_wait3A_79 : memref<25x80xi32, #tpu.memory_space<hbm>>) dst(%arg9 : memref<25x80xi32, #tpu.memory_space<vmem>>)
        tpu.yield
      }) : () -> ()
      %dma_start3A = arith.constant 0 : i32
      %dma_start3A_22 = arith.constant 0 : i32
      %dma_start3A_23 = tpu.memref_slice %arg8[%dma_start3A, %dma_start3A_22] : memref<25x80xi32, #tpu.memory_space<vmem>> -> memref<1x80xi32, #tpu.memory_space<vmem>>
      %dma_start3A_24 = tpu.memref_squeeze %dma_start3A_23 : memref<1x80xi32, #tpu.memory_space<vmem>> -> memref<80xi32, #tpu.memory_space<vmem>>
      %dma_start3A_25 = arith.constant 0 : i32
      %dma_start3A_26 = arith.constant 0 : i32
      %dma_start3A_27 = tpu.memref_slice %arg2[%dma_start3A_25, %dma_start3A_26] : memref<10000x144xf32, #tpu.memory_space<hbm>> -> memref<10000x144xf32, #tpu.memory_space<hbm>>
      tpu.enqueue_indirect_dma source(%dma_start3A_27 : memref<10000x144xf32, #tpu.memory_space<hbm>>) target(%arg11 : memref<80x144xf32, #tpu.memory_space<vmem>>) offsets(%dma_start3A_24 : memref<80xi32, #tpu.memory_space<vmem>>) semaphore(%arg16 : memref<!tpu.dma_semaphore, #tpu.memory_space<semaphore_mem>>)
      %dma_start3A_28 = arith.constant 0 : i32
      %dma_start3A_29 = arith.constant 0 : i32
      %dma_start3A_30 = tpu.memref_slice %arg9[%dma_start3A_28, %dma_start3A_29] : memref<25x80xi32, #tpu.memory_space<vmem>> -> memref<1x80xi32, #tpu.memory_space<vmem>>
      %dma_start3A_31 = tpu.memref_squeeze %dma_start3A_30 : memref<1x80xi32, #tpu.memory_space<vmem>> -> memref<80xi32, #tpu.memory_space<vmem>>
      %dma_start3A_32 = arith.constant 0 : i32
      %dma_start3A_33 = arith.constant 0 : i32
      %dma_start3A_34 = tpu.memref_slice %arg3[%dma_start3A_32, %dma_start3A_33] : memref<10000x16xf32, #tpu.memory_space<hbm>> -> memref<10000x16xf32, #tpu.memory_space<hbm>>
      tpu.enqueue_indirect_dma source(%dma_start3A_34 : memref<10000x16xf32, #tpu.memory_space<hbm>>) target(%arg13 : memref<80x16xf32, #tpu.memory_space<vmem>>) offsets(%dma_start3A_31 : memref<80xi32, #tpu.memory_space<vmem>>) semaphore(%arg16 : memref<!tpu.dma_semaphore, #tpu.memory_space<semaphore_mem>>)
      %scan3A_35 = arith.constant 0 : i32
      %scan3A_36 = arith.constant 12 : i32
      %scan3A_37 = arith.addi %scan3A_35, %scan3A_36 : i32
      %scan3A_38 = arith.constant 1 : i32
      scf.for %scan3A_72 = %scan3A_35 to %scan3A_37 step %scan3A_38  : i32 {
        %mul3A_73 = arith.constant 1 : i32
        %mul3A_74 = arith.muli %scan3A_72, %mul3A_73 : i32
        %add3A_75 = arith.constant 0 : i32
        %add3A_76 = arith.addi %add3A_75, %mul3A_74 : i32
        %mul3A_77 = arith.constant 2 : i32
        %mul3A_78 = arith.muli %mul3A_77, %add3A_76 : i32
        %dma_wait3A_79 = arith.constant 0 : i32
        %dma_wait3A_80 = arith.constant 0 : i32
        %dma_wait3A_81 = tpu.memref_slice %arg2[%dma_wait3A_79, %dma_wait3A_80] : memref<10000x144xf32, #tpu.memory_space<hbm>> -> memref<80x144xf32, #tpu.memory_space<hbm>>
        %dma_wait3A_82 = arith.constant 0 : i32
        %dma_wait3A_83 = arith.constant 0 : i32
        %dma_wait3A_84 = tpu.memref_slice %arg2[%dma_wait3A_82, %dma_wait3A_83] : memref<10000x144xf32, #tpu.memory_space<hbm>> -> memref<80x144xf32, #tpu.memory_space<hbm>>
        tpu.wait_dma2 semaphore(%arg16 : memref<!tpu.dma_semaphore, #tpu.memory_space<semaphore_mem>>) src(%dma_wait3A_84 : memref<80x144xf32, #tpu.memory_space<hbm>>) dst(%arg11 : memref<80x144xf32, #tpu.memory_space<vmem>>)
        %dma_wait3A_85 = arith.constant 0 : i32
        %dma_wait3A_86 = arith.constant 0 : i32
        %dma_wait3A_87 = tpu.memref_slice %arg3[%dma_wait3A_85, %dma_wait3A_86] : memref<10000x16xf32, #tpu.memory_space<hbm>> -> memref<80x16xf32, #tpu.memory_space<hbm>>
        %dma_wait3A_88 = arith.constant 0 : i32
        %dma_wait3A_89 = arith.constant 0 : i32
        %dma_wait3A_90 = tpu.memref_slice %arg3[%dma_wait3A_88, %dma_wait3A_89] : memref<10000x16xf32, #tpu.memory_space<hbm>> -> memref<80x16xf32, #tpu.memory_space<hbm>>
        tpu.wait_dma2 semaphore(%arg16 : memref<!tpu.dma_semaphore, #tpu.memory_space<semaphore_mem>>) src(%dma_wait3A_90 : memref<80x16xf32, #tpu.memory_space<hbm>>) dst(%arg13 : memref<80x16xf32, #tpu.memory_space<vmem>>)
        %gt3A = arith.constant 0 : i32
        %gt3A_91 = arith.cmpi sgt, %mul3A_78, %gt3A : i32
        %convert_element_type3A = arith.extui %gt3A_91 : i1 to i32
        %cond3A = arith.constant 0 : i32
        %cond3A_92 = arith.cmpi ne, %convert_element_type3A, %cond3A : i32
        scf.if %cond3A_92 {
          %dma_wait3A_161 = arith.constant 0 : i32
          %dma_wait3A_162 = arith.constant 0 : i32
          %dma_wait3A_163 = tpu.memref_slice %arg2[%dma_wait3A_161, %dma_wait3A_162] : memref<10000x144xf32, #tpu.memory_space<hbm>> -> memref<80x144xf32, #tpu.memory_space<hbm>>
          %dma_wait3A_164 = arith.constant 0 : i32
          %dma_wait3A_165 = arith.constant 0 : i32
          %dma_wait3A_166 = tpu.memref_slice %arg2[%dma_wait3A_164, %dma_wait3A_165] : memref<10000x144xf32, #tpu.memory_space<hbm>> -> memref<80x144xf32, #tpu.memory_space<hbm>>
          tpu.wait_dma2 semaphore(%arg19 : memref<!tpu.dma_semaphore, #tpu.memory_space<semaphore_mem>>) src(%dma_wait3A_166 : memref<80x144xf32, #tpu.memory_space<hbm>>) dst(%arg12 : memref<80x144xf32, #tpu.memory_space<vmem>>)
        } else {
        }
        %add3A_93 = arith.constant 1 : i32
        %add3A_94 = arith.addi %mul3A_78, %add3A_93 : i32
        %dma_start3A_95 = arith.constant 0 : i32
        %dma_start3A_96 = tpu.memref_slice %arg8[%add3A_94, %dma_start3A_95] : memref<25x80xi32, #tpu.memory_space<vmem>> -> memref<1x80xi32, #tpu.memory_space<vmem>>
        %dma_start3A_97 = tpu.memref_squeeze %dma_start3A_96 : memref<1x80xi32, #tpu.memory_space<vmem>> -> memref<80xi32, #tpu.memory_space<vmem>>
        %dma_start3A_98 = arith.constant 0 : i32
        %dma_start3A_99 = arith.constant 0 : i32
        %dma_start3A_100 = tpu.memref_slice %arg2[%dma_start3A_98, %dma_start3A_99] : memref<10000x144xf32, #tpu.memory_space<hbm>> -> memref<10000x144xf32, #tpu.memory_space<hbm>>
        tpu.enqueue_indirect_dma source(%dma_start3A_100 : memref<10000x144xf32, #tpu.memory_space<hbm>>) target(%arg12 : memref<80x144xf32, #tpu.memory_space<vmem>>) offsets(%dma_start3A_97 : memref<80xi32, #tpu.memory_space<vmem>>) semaphore(%arg17 : memref<!tpu.dma_semaphore, #tpu.memory_space<semaphore_mem>>)
        %dma_start3A_101 = arith.constant 0 : i32
        %dma_start3A_102 = tpu.memref_slice %arg9[%add3A_94, %dma_start3A_101] : memref<25x80xi32, #tpu.memory_space<vmem>> -> memref<1x80xi32, #tpu.memory_space<vmem>>
        %dma_start3A_103 = tpu.memref_squeeze %dma_start3A_102 : memref<1x80xi32, #tpu.memory_space<vmem>> -> memref<80xi32, #tpu.memory_space<vmem>>
        %dma_start3A_104 = arith.constant 0 : i32
        %dma_start3A_105 = arith.constant 0 : i32
        %dma_start3A_106 = tpu.memref_slice %arg3[%dma_start3A_104, %dma_start3A_105] : memref<10000x16xf32, #tpu.memory_space<hbm>> -> memref<10000x16xf32, #tpu.memory_space<hbm>>
        tpu.enqueue_indirect_dma source(%dma_start3A_106 : memref<10000x16xf32, #tpu.memory_space<hbm>>) target(%arg14 : memref<80x16xf32, #tpu.memory_space<vmem>>) offsets(%dma_start3A_103 : memref<80xi32, #tpu.memory_space<vmem>>) semaphore(%arg17 : memref<!tpu.dma_semaphore, #tpu.memory_space<semaphore_mem>>)
        %parallel_loop3A_107 = arith.constant 0 : i32
        %parallel_loop3A_108 = arith.constant 5 : i32
        %parallel_loop3A_109 = arith.constant 1 : i32
        scf.for %parallel_loop3A_161 = %parallel_loop3A_107 to %parallel_loop3A_108 step %parallel_loop3A_109  : i32 {
          %parallel_loop3A_162 = arith.constant 16 : i32
          %parallel_loop3A_163 = arith.muli %parallel_loop3A_161, %parallel_loop3A_162 : i32
          %parallel_loop3A_164 = tpu.iota {dimensions = array<i32: 0>} : vector<16xi32>
          %parallel_loop3A_165 = vector.broadcast %parallel_loop3A_163 : i32 to vector<16xi32>
          %parallel_loop3A_166 = arith.addi %parallel_loop3A_165, %parallel_loop3A_164 : vector<16xi32>
          %parallel_loop3A_167 = arith.constant 129 : i32
          %parallel_loop3A_168 = vector.broadcast %parallel_loop3A_167 : i32 to vector<16xi32>
          %parallel_loop3A_169 = tpu.vector_load_idx %arg11[%parallel_loop3A_166, %parallel_loop3A_168] : memref<80x144xf32, #tpu.memory_space<vmem>>[vector<16xi32>, vector<16xi32>], vector<16xf32>,
          %parallel_loop3A_170 = arith.constant 0 : i32
          %parallel_loop3A_171 = vector.broadcast %parallel_loop3A_170 : i32 to vector<16xi32>
          %parallel_loop3A_172 = tpu.vector_load_idx %arg13[%parallel_loop3A_166, %parallel_loop3A_171] : memref<80x16xf32, #tpu.memory_space<vmem>>[vector<16xi32>, vector<16xi32>], vector<16xf32>,
          %parallel_loop3A_173 = arith.addf %parallel_loop3A_169, %parallel_loop3A_172 : vector<16xf32>
          %parallel_loop3A_174 = arith.constant 2.000000e-01 : f32
          %parallel_loop3A_175 = vector.broadcast %parallel_loop3A_174 : f32 to vector<16xf32>
          %parallel_loop3A_176 = arith.mulf %parallel_loop3A_175, %parallel_loop3A_173 : vector<16xf32>
          %parallel_loop3A_177 = arith.maximumf %parallel_loop3A_173, %parallel_loop3A_176 : vector<16xf32>
          %parallel_loop3A_178 = math.exp %parallel_loop3A_177 : vector<16xf32>
          %parallel_loop3A_179 = arith.constant 0 : i32
          %parallel_loop3A_180 = arith.constant 144 : i32
          %parallel_loop3A_181 = arith.constant 1 : i32
          scf.for %parallel_loop3A_182 = %parallel_loop3A_179 to %parallel_loop3A_180 step %parallel_loop3A_181  : i32 {
            %parallel_loop3A_183 = vector.broadcast %parallel_loop3A_182 : i32 to vector<16xi32>
            %parallel_loop3A_184 = tpu.vector_load_idx %arg11[%parallel_loop3A_166, %parallel_loop3A_183] : memref<80x144xf32, #tpu.memory_space<vmem>>[vector<16xi32>, vector<16xi32>], vector<16xf32>,
            %parallel_loop3A_185 = arith.mulf %parallel_loop3A_184, %parallel_loop3A_178 : vector<16xf32>
            tpu.vector_store_idx %arg11[%parallel_loop3A_166, %parallel_loop3A_183], %parallel_loop3A_185 : memref<80x144xf32, #tpu.memory_space<vmem>>[vector<16xi32>, vector<16xi32>], vector<16xf32>,
          } {sc.loop_unroll_factor = 8 : i64, sc.parallel_access}
        } {sc.loop_unroll_factor = 1 : i64, sc.parallel_access}
        %dma_start3A_110 = arith.constant 0 : i32
        %dma_start3A_111 = tpu.memref_slice %arg9[%mul3A_78, %dma_start3A_110] : memref<25x80xi32, #tpu.memory_space<vmem>> -> memref<1x80xi32, #tpu.memory_space<vmem>>
        %dma_start3A_112 = tpu.memref_squeeze %dma_start3A_111 : memref<1x80xi32, #tpu.memory_space<vmem>> -> memref<80xi32, #tpu.memory_space<vmem>>
        %dma_start3A_113 = arith.constant 0 : i32
        %dma_start3A_114 = arith.constant 0 : i32
        %dma_start3A_115 = tpu.memref_slice %arg15[%dma_start3A_113, %dma_start3A_114] : memref<10240x144xf32, #tpu.memory_space<vmem_shared>> -> memref<10240x144xf32, #tpu.memory_space<vmem_shared>>
        tpu.enqueue_indirect_dma source(%arg11 : memref<80x144xf32, #tpu.memory_space<vmem>>) target(%dma_start3A_115 : memref<10240x144xf32, #tpu.memory_space<vmem_shared>>) offsets(%dma_start3A_112 : memref<80xi32, #tpu.memory_space<vmem>>) semaphore(%arg18 : memref<!tpu.dma_semaphore, #tpu.memory_space<semaphore_mem>>) {add = true}
        %add3A_116 = arith.constant 1 : i32
        %add3A_117 = arith.addi %mul3A_78, %add3A_116 : i32
        %dma_wait3A_118 = arith.constant 0 : i32
        %dma_wait3A_119 = arith.constant 0 : i32
        %dma_wait3A_120 = tpu.memref_slice %arg2[%dma_wait3A_118, %dma_wait3A_119] : memref<10000x144xf32, #tpu.memory_space<hbm>> -> memref<80x144xf32, #tpu.memory_space<hbm>>
        %dma_wait3A_121 = arith.constant 0 : i32
        %dma_wait3A_122 = arith.constant 0 : i32
        %dma_wait3A_123 = tpu.memref_slice %arg2[%dma_wait3A_121, %dma_wait3A_122] : memref<10000x144xf32, #tpu.memory_space<hbm>> -> memref<80x144xf32, #tpu.memory_space<hbm>>
        tpu.wait_dma2 semaphore(%arg17 : memref<!tpu.dma_semaphore, #tpu.memory_space<semaphore_mem>>) src(%dma_wait3A_123 : memref<80x144xf32, #tpu.memory_space<hbm>>) dst(%arg12 : memref<80x144xf32, #tpu.memory_space<vmem>>)
        %dma_wait3A_124 = arith.constant 0 : i32
        %dma_wait3A_125 = arith.constant 0 : i32
        %dma_wait3A_126 = tpu.memref_slice %arg3[%dma_wait3A_124, %dma_wait3A_125] : memref<10000x16xf32, #tpu.memory_space<hbm>> -> memref<80x16xf32, #tpu.memory_space<hbm>>
        %dma_wait3A_127 = arith.constant 0 : i32
        %dma_wait3A_128 = arith.constant 0 : i32
        %dma_wait3A_129 = tpu.memref_slice %arg3[%dma_wait3A_127, %dma_wait3A_128] : memref<10000x16xf32, #tpu.memory_space<hbm>> -> memref<80x16xf32, #tpu.memory_space<hbm>>
        tpu.wait_dma2 semaphore(%arg17 : memref<!tpu.dma_semaphore, #tpu.memory_space<semaphore_mem>>) src(%dma_wait3A_129 : memref<80x16xf32, #tpu.memory_space<hbm>>) dst(%arg14 : memref<80x16xf32, #tpu.memory_space<vmem>>)
        %dma_wait3A_130 = arith.constant 0 : i32
        %dma_wait3A_131 = arith.constant 0 : i32
        %dma_wait3A_132 = tpu.memref_slice %arg2[%dma_wait3A_130, %dma_wait3A_131] : memref<10000x144xf32, #tpu.memory_space<hbm>> -> memref<80x144xf32, #tpu.memory_space<hbm>>
        %dma_wait3A_133 = arith.constant 0 : i32
        %dma_wait3A_134 = arith.constant 0 : i32
        %dma_wait3A_135 = tpu.memref_slice %arg2[%dma_wait3A_133, %dma_wait3A_134] : memref<10000x144xf32, #tpu.memory_space<hbm>> -> memref<80x144xf32, #tpu.memory_space<hbm>>
        tpu.wait_dma2 semaphore(%arg18 : memref<!tpu.dma_semaphore, #tpu.memory_space<semaphore_mem>>) src(%dma_wait3A_135 : memref<80x144xf32, #tpu.memory_space<hbm>>) dst(%arg11 : memref<80x144xf32, #tpu.memory_space<vmem>>)
        %add3A_136 = arith.constant 1 : i32
        %add3A_137 = arith.addi %add3A_117, %add3A_136 : i32
        %dma_start3A_138 = arith.constant 0 : i32
        %dma_start3A_139 = tpu.memref_slice %arg8[%add3A_137, %dma_start3A_138] : memref<25x80xi32, #tpu.memory_space<vmem>> -> memref<1x80xi32, #tpu.memory_space<vmem>>
        %dma_start3A_140 = tpu.memref_squeeze %dma_start3A_139 : memref<1x80xi32, #tpu.memory_space<vmem>> -> memref<80xi32, #tpu.memory_space<vmem>>
        %dma_start3A_141 = arith.constant 0 : i32
        %dma_start3A_142 = arith.constant 0 : i32
        %dma_start3A_143 = tpu.memref_slice %arg2[%dma_start3A_141, %dma_start3A_142] : memref<10000x144xf32, #tpu.memory_space<hbm>> -> memref<10000x144xf32, #tpu.memory_space<hbm>>
        tpu.enqueue_indirect_dma source(%dma_start3A_143 : memref<10000x144xf32, #tpu.memory_space<hbm>>) target(%arg11 : memref<80x144xf32, #tpu.memory_space<vmem>>) offsets(%dma_start3A_140 : memref<80xi32, #tpu.memory_space<vmem>>) semaphore(%arg16 : memref<!tpu.dma_semaphore, #tpu.memory_space<semaphore_mem>>)
        %dma_start3A_144 = arith.constant 0 : i32
        %dma_start3A_145 = tpu.memref_slice %arg9[%add3A_137, %dma_start3A_144] : memref<25x80xi32, #tpu.memory_space<vmem>> -> memref<1x80xi32, #tpu.memory_space<vmem>>
        %dma_start3A_146 = tpu.memref_squeeze %dma_start3A_145 : memref<1x80xi32, #tpu.memory_space<vmem>> -> memref<80xi32, #tpu.memory_space<vmem>>
        %dma_start3A_147 = arith.constant 0 : i32
        %dma_start3A_148 = arith.constant 0 : i32
        %dma_start3A_149 = tpu.memref_slice %arg3[%dma_start3A_147, %dma_start3A_148] : memref<10000x16xf32, #tpu.memory_space<hbm>> -> memref<10000x16xf32, #tpu.memory_space<hbm>>
        tpu.enqueue_indirect_dma source(%dma_start3A_149 : memref<10000x16xf32, #tpu.memory_space<hbm>>) target(%arg13 : memref<80x16xf32, #tpu.memory_space<vmem>>) offsets(%dma_start3A_146 : memref<80xi32, #tpu.memory_space<vmem>>) semaphore(%arg16 : memref<!tpu.dma_semaphore, #tpu.memory_space<semaphore_mem>>)
        %parallel_loop3A_150 = arith.constant 0 : i32
        %parallel_loop3A_151 = arith.constant 5 : i32
        %parallel_loop3A_152 = arith.constant 1 : i32
        scf.for %parallel_loop3A_161 = %parallel_loop3A_150 to %parallel_loop3A_151 step %parallel_loop3A_152  : i32 {
          %parallel_loop3A_162 = arith.constant 16 : i32
          %parallel_loop3A_163 = arith.muli %parallel_loop3A_161, %parallel_loop3A_162 : i32
          %parallel_loop3A_164 = tpu.iota {dimensions = array<i32: 0>} : vector<16xi32>
          %parallel_loop3A_165 = vector.broadcast %parallel_loop3A_163 : i32 to vector<16xi32>
          %parallel_loop3A_166 = arith.addi %parallel_loop3A_165, %parallel_loop3A_164 : vector<16xi32>
          %parallel_loop3A_167 = arith.constant 129 : i32
          %parallel_loop3A_168 = vector.broadcast %parallel_loop3A_167 : i32 to vector<16xi32>
          %parallel_loop3A_169 = tpu.vector_load_idx %arg12[%parallel_loop3A_166, %parallel_loop3A_168] : memref<80x144xf32, #tpu.memory_space<vmem>>[vector<16xi32>, vector<16xi32>], vector<16xf32>,
          %parallel_loop3A_170 = arith.constant 0 : i32
          %parallel_loop3A_171 = vector.broadcast %parallel_loop3A_170 : i32 to vector<16xi32>
          %parallel_loop3A_172 = tpu.vector_load_idx %arg14[%parallel_loop3A_166, %parallel_loop3A_171] : memref<80x16xf32, #tpu.memory_space<vmem>>[vector<16xi32>, vector<16xi32>], vector<16xf32>,
          %parallel_loop3A_173 = arith.addf %parallel_loop3A_169, %parallel_loop3A_172 : vector<16xf32>
          %parallel_loop3A_174 = arith.constant 2.000000e-01 : f32
          %parallel_loop3A_175 = vector.broadcast %parallel_loop3A_174 : f32 to vector<16xf32>
          %parallel_loop3A_176 = arith.mulf %parallel_loop3A_175, %parallel_loop3A_173 : vector<16xf32>
          %parallel_loop3A_177 = arith.maximumf %parallel_loop3A_173, %parallel_loop3A_176 : vector<16xf32>
          %parallel_loop3A_178 = math.exp %parallel_loop3A_177 : vector<16xf32>
          %parallel_loop3A_179 = arith.constant 0 : i32
          %parallel_loop3A_180 = arith.constant 144 : i32
          %parallel_loop3A_181 = arith.constant 1 : i32
          scf.for %parallel_loop3A_182 = %parallel_loop3A_179 to %parallel_loop3A_180 step %parallel_loop3A_181  : i32 {
            %parallel_loop3A_183 = vector.broadcast %parallel_loop3A_182 : i32 to vector<16xi32>
            %parallel_loop3A_184 = tpu.vector_load_idx %arg12[%parallel_loop3A_166, %parallel_loop3A_183] : memref<80x144xf32, #tpu.memory_space<vmem>>[vector<16xi32>, vector<16xi32>], vector<16xf32>,
            %parallel_loop3A_185 = arith.mulf %parallel_loop3A_184, %parallel_loop3A_178 : vector<16xf32>
            tpu.vector_store_idx %arg12[%parallel_loop3A_166, %parallel_loop3A_183], %parallel_loop3A_185 : memref<80x144xf32, #tpu.memory_space<vmem>>[vector<16xi32>, vector<16xi32>], vector<16xf32>,
          } {sc.loop_unroll_factor = 8 : i64, sc.parallel_access}
        } {sc.loop_unroll_factor = 1 : i64, sc.parallel_access}
        %add3A_153 = arith.constant 1 : i32
        %add3A_154 = arith.addi %mul3A_78, %add3A_153 : i32
        %dma_start3A_155 = arith.constant 0 : i32
        %dma_start3A_156 = tpu.memref_slice %arg9[%add3A_154, %dma_start3A_155] : memref<25x80xi32, #tpu.memory_space<vmem>> -> memref<1x80xi32, #tpu.memory_space<vmem>>
        %dma_start3A_157 = tpu.memref_squeeze %dma_start3A_156 : memref<1x80xi32, #tpu.memory_space<vmem>> -> memref<80xi32, #tpu.memory_space<vmem>>
        %dma_start3A_158 = arith.constant 0 : i32
        %dma_start3A_159 = arith.constant 0 : i32
        %dma_start3A_160 = tpu.memref_slice %arg15[%dma_start3A_158, %dma_start3A_159] : memref<10240x144xf32, #tpu.memory_space<vmem_shared>> -> memref<10240x144xf32, #tpu.memory_space<vmem_shared>>
        tpu.enqueue_indirect_dma source(%arg12 : memref<80x144xf32, #tpu.memory_space<vmem>>) target(%dma_start3A_160 : memref<10240x144xf32, #tpu.memory_space<vmem_shared>>) offsets(%dma_start3A_157 : memref<80xi32, #tpu.memory_space<vmem>>) semaphore(%arg19 : memref<!tpu.dma_semaphore, #tpu.memory_space<semaphore_mem>>) {add = true}
      }
      %scan3A_39 = arith.constant 12 : i32
      %dma_wait3A = arith.constant 0 : i32
      %dma_wait3A_40 = arith.constant 0 : i32
      %dma_wait3A_41 = tpu.memref_slice %arg2[%dma_wait3A, %dma_wait3A_40] : memref<10000x144xf32, #tpu.memory_space<hbm>> -> memref<80x144xf32, #tpu.memory_space<hbm>>
      %dma_wait3A_42 = arith.constant 0 : i32
      %dma_wait3A_43 = arith.constant 0 : i32
      %dma_wait3A_44 = tpu.memref_slice %arg2[%dma_wait3A_42, %dma_wait3A_43] : memref<10000x144xf32, #tpu.memory_space<hbm>> -> memref<80x144xf32, #tpu.memory_space<hbm>>
      tpu.wait_dma2 semaphore(%arg16 : memref<!tpu.dma_semaphore, #tpu.memory_space<semaphore_mem>>) src(%dma_wait3A_44 : memref<80x144xf32, #tpu.memory_space<hbm>>) dst(%arg11 : memref<80x144xf32, #tpu.memory_space<vmem>>)
      %dma_wait3A_45 = arith.constant 0 : i32
      %dma_wait3A_46 = arith.constant 0 : i32
      %dma_wait3A_47 = tpu.memref_slice %arg3[%dma_wait3A_45, %dma_wait3A_46] : memref<10000x16xf32, #tpu.memory_space<hbm>> -> memref<80x16xf32, #tpu.memory_space<hbm>>
      %dma_wait3A_48 = arith.constant 0 : i32
      %dma_wait3A_49 = arith.constant 0 : i32
      %dma_wait3A_50 = tpu.memref_slice %arg3[%dma_wait3A_48, %dma_wait3A_49] : memref<10000x16xf32, #tpu.memory_space<hbm>> -> memref<80x16xf32, #tpu.memory_space<hbm>>
      tpu.wait_dma2 semaphore(%arg16 : memref<!tpu.dma_semaphore, #tpu.memory_space<semaphore_mem>>) src(%dma_wait3A_50 : memref<80x16xf32, #tpu.memory_space<hbm>>) dst(%arg13 : memref<80x16xf32, #tpu.memory_space<vmem>>)
      %parallel_loop3A = arith.constant 0 : i32
      %parallel_loop3A_51 = arith.constant 5 : i32
      %parallel_loop3A_52 = arith.constant 1 : i32
      scf.for %parallel_loop3A_72 = %parallel_loop3A to %parallel_loop3A_51 step %parallel_loop3A_52  : i32 {
        %parallel_loop3A_73 = arith.constant 16 : i32
        %parallel_loop3A_74 = arith.muli %parallel_loop3A_72, %parallel_loop3A_73 : i32
        %parallel_loop3A_75 = tpu.iota {dimensions = array<i32: 0>} : vector<16xi32>
        %parallel_loop3A_76 = vector.broadcast %parallel_loop3A_74 : i32 to vector<16xi32>
        %parallel_loop3A_77 = arith.addi %parallel_loop3A_76, %parallel_loop3A_75 : vector<16xi32>
        %parallel_loop3A_78 = arith.constant 129 : i32
        %parallel_loop3A_79 = vector.broadcast %parallel_loop3A_78 : i32 to vector<16xi32>
        %parallel_loop3A_80 = tpu.vector_load_idx %arg11[%parallel_loop3A_77, %parallel_loop3A_79] : memref<80x144xf32, #tpu.memory_space<vmem>>[vector<16xi32>, vector<16xi32>], vector<16xf32>,
        %parallel_loop3A_81 = arith.constant 0 : i32
        %parallel_loop3A_82 = vector.broadcast %parallel_loop3A_81 : i32 to vector<16xi32>
        %parallel_loop3A_83 = tpu.vector_load_idx %arg13[%parallel_loop3A_77, %parallel_loop3A_82] : memref<80x16xf32, #tpu.memory_space<vmem>>[vector<16xi32>, vector<16xi32>], vector<16xf32>,
        %parallel_loop3A_84 = arith.addf %parallel_loop3A_80, %parallel_loop3A_83 : vector<16xf32>
        %parallel_loop3A_85 = arith.constant 2.000000e-01 : f32
        %parallel_loop3A_86 = vector.broadcast %parallel_loop3A_85 : f32 to vector<16xf32>
        %parallel_loop3A_87 = arith.mulf %parallel_loop3A_86, %parallel_loop3A_84 : vector<16xf32>
        %parallel_loop3A_88 = arith.maximumf %parallel_loop3A_84, %parallel_loop3A_87 : vector<16xf32>
        %parallel_loop3A_89 = math.exp %parallel_loop3A_88 : vector<16xf32>
        %parallel_loop3A_90 = arith.constant 0 : i32
        %parallel_loop3A_91 = arith.constant 144 : i32
        %parallel_loop3A_92 = arith.constant 1 : i32
        scf.for %parallel_loop3A_93 = %parallel_loop3A_90 to %parallel_loop3A_91 step %parallel_loop3A_92  : i32 {
          %parallel_loop3A_94 = vector.broadcast %parallel_loop3A_93 : i32 to vector<16xi32>
          %parallel_loop3A_95 = tpu.vector_load_idx %arg11[%parallel_loop3A_77, %parallel_loop3A_94] : memref<80x144xf32, #tpu.memory_space<vmem>>[vector<16xi32>, vector<16xi32>], vector<16xf32>,
          %parallel_loop3A_96 = arith.mulf %parallel_loop3A_95, %parallel_loop3A_89 : vector<16xf32>
          tpu.vector_store_idx %arg11[%parallel_loop3A_77, %parallel_loop3A_94], %parallel_loop3A_96 : memref<80x144xf32, #tpu.memory_space<vmem>>[vector<16xi32>, vector<16xi32>], vector<16xf32>,
        } {sc.loop_unroll_factor = 8 : i64, sc.parallel_access}
      } {sc.loop_unroll_factor = 1 : i64, sc.parallel_access}
      %dma_wait3A_53 = arith.constant 0 : i32
      %dma_wait3A_54 = arith.constant 0 : i32
      %dma_wait3A_55 = tpu.memref_slice %arg2[%dma_wait3A_53, %dma_wait3A_54] : memref<10000x144xf32, #tpu.memory_space<hbm>> -> memref<80x144xf32, #tpu.memory_space<hbm>>
      %dma_wait3A_56 = arith.constant 0 : i32
      %dma_wait3A_57 = arith.constant 0 : i32
      %dma_wait3A_58 = tpu.memref_slice %arg2[%dma_wait3A_56, %dma_wait3A_57] : memref<10000x144xf32, #tpu.memory_space<hbm>> -> memref<80x144xf32, #tpu.memory_space<hbm>>
      tpu.wait_dma2 semaphore(%arg19 : memref<!tpu.dma_semaphore, #tpu.memory_space<semaphore_mem>>) src(%dma_wait3A_58 : memref<80x144xf32, #tpu.memory_space<hbm>>) dst(%arg12 : memref<80x144xf32, #tpu.memory_space<vmem>>)
      %dma_start3A_59 = arith.constant 24 : i32
      %dma_start3A_60 = arith.constant 0 : i32
      %dma_start3A_61 = tpu.memref_slice %arg9[%dma_start3A_59, %dma_start3A_60] : memref<25x80xi32, #tpu.memory_space<vmem>> -> memref<1x80xi32, #tpu.memory_space<vmem>>
      %dma_start3A_62 = tpu.memref_squeeze %dma_start3A_61 : memref<1x80xi32, #tpu.memory_space<vmem>> -> memref<80xi32, #tpu.memory_space<vmem>>
      %dma_start3A_63 = arith.constant 0 : i32
      %dma_start3A_64 = arith.constant 0 : i32
      %dma_start3A_65 = tpu.memref_slice %arg15[%dma_start3A_63, %dma_start3A_64] : memref<10240x144xf32, #tpu.memory_space<vmem_shared>> -> memref<10240x144xf32, #tpu.memory_space<vmem_shared>>
      tpu.enqueue_indirect_dma source(%arg11 : memref<80x144xf32, #tpu.memory_space<vmem>>) target(%dma_start3A_65 : memref<10240x144xf32, #tpu.memory_space<vmem_shared>>) offsets(%dma_start3A_62 : memref<80xi32, #tpu.memory_space<vmem>>) semaphore(%arg18 : memref<!tpu.dma_semaphore, #tpu.memory_space<semaphore_mem>>) {add = true}
      %dma_wait3A_66 = arith.constant 0 : i32
      %dma_wait3A_67 = arith.constant 0 : i32
      %dma_wait3A_68 = tpu.memref_slice %arg2[%dma_wait3A_66, %dma_wait3A_67] : memref<10000x144xf32, #tpu.memory_space<hbm>> -> memref<80x144xf32, #tpu.memory_space<hbm>>
      %dma_wait3A_69 = arith.constant 0 : i32
      %dma_wait3A_70 = arith.constant 0 : i32
      %dma_wait3A_71 = tpu.memref_slice %arg2[%dma_wait3A_69, %dma_wait3A_70] : memref<10000x144xf32, #tpu.memory_space<hbm>> -> memref<80x144xf32, #tpu.memory_space<hbm>>
      tpu.wait_dma2 semaphore(%arg18 : memref<!tpu.dma_semaphore, #tpu.memory_space<semaphore_mem>>) src(%dma_wait3A_71 : memref<80x144xf32, #tpu.memory_space<hbm>>) dst(%arg11 : memref<80x144xf32, #tpu.memory_space<vmem>>)
    }
    %scan3A_6 = arith.constant 5 : i32
    %barrier3A_7 = arith.constant 0 : index
    tpu.barrier barrier_id(%barrier3A_7)
    %mul3A_8 = arith.constant 640 : i32
    %mul3A_9 = arith.muli %arg1, %mul3A_8 : i32
    %mul3A_10 = arith.constant 640 : i32
    %mul3A_11 = arith.muli %arg1, %mul3A_10 : i32
    "tpu.region"() ({
      %run_scoped3A = tpu.sem_alloc : memref<!tpu.dma_semaphore, #tpu.memory_space<semaphore_mem>>
      %dma_start3A = arith.constant 0 : i32
      %dma_start3A_12 = tpu.memref_slice %arg7[%arg0, %mul3A_11, %dma_start3A] : memref<2x10240x144xf32, #tpu.memory_space<hbm>> -> memref<1x640x144xf32, #tpu.memory_space<hbm>>
      %dma_start3A_13 = tpu.memref_squeeze %dma_start3A_12 : memref<1x640x144xf32, #tpu.memory_space<hbm>> -> memref<640x144xf32, #tpu.memory_space<hbm>>
      %dma_start3A_14 = arith.constant 0 : i32
      %dma_start3A_15 = tpu.memref_slice %arg15[%mul3A_9, %dma_start3A_14] : memref<10240x144xf32, #tpu.memory_space<vmem_shared>> -> memref<640x144xf32, #tpu.memory_space<vmem_shared>>
      tpu.enqueue_dma source(%dma_start3A_15 : memref<640x144xf32, #tpu.memory_space<vmem_shared>>) target(%dma_start3A_13 : memref<640x144xf32, #tpu.memory_space<hbm>>) target_semaphore(%run_scoped3A : memref<!tpu.dma_semaphore, #tpu.memory_space<semaphore_mem>>)
      %dma_wait3A = arith.constant 0 : i32
      %dma_wait3A_16 = tpu.memref_slice %arg7[%arg0, %mul3A_11, %dma_wait3A] : memref<2x10240x144xf32, #tpu.memory_space<hbm>> -> memref<1x640x144xf32, #tpu.memory_space<hbm>>
      %dma_wait3A_17 = tpu.memref_squeeze %dma_wait3A_16 : memref<1x640x144xf32, #tpu.memory_space<hbm>> -> memref<640x144xf32, #tpu.memory_space<hbm>>
      %dma_wait3A_18 = arith.constant 0 : i32
      %dma_wait3A_19 = tpu.memref_slice %arg15[%mul3A_9, %dma_wait3A_18] : memref<10240x144xf32, #tpu.memory_space<vmem_shared>> -> memref<640x144xf32, #tpu.memory_space<vmem_shared>>
      tpu.wait_dma2 semaphore(%run_scoped3A : memref<!tpu.dma_semaphore, #tpu.memory_space<semaphore_mem>>) src(%dma_wait3A_19 : memref<640x144xf32, #tpu.memory_space<vmem_shared>>) dst(%dma_wait3A_17 : memref<640x144xf32, #tpu.memory_space<hbm>>)
      tpu.yield
    }) : () -> ()
    return
  }
}

module attributes {stable_mosaic.version = 14 : i64} {
  func.func @_pre_body(%arg0: memref<10000x128xf32, #tpu.memory_space<vmem>>, %arg1: memref<128x128xf32, #tpu.memory_space<vmem>>, %arg2: memref<1x128xf32, #tpu.memory_space<vmem>>, %arg3: memref<1x128xf32, #tpu.memory_space<vmem>>, %arg4: memref<10000x144xf32, #tpu.memory_space<vmem>>, %arg5: memref<10000x16xf32, #tpu.memory_space<vmem>>, %arg6: memref<10000x1xf32, #tpu.memory_space<vmem>>) attributes {dimension_semantics = [], scalar_prefetch = 0 : i64, scratch_operands = 0 : i64, tpu.core_type = #tpu.core_type<tc>} {
    %get3A = arith.constant 0 : index
    %get3A_0 = arith.constant 0 : index
    %get3A_1 = vector.load %arg0[%get3A, %get3A_0] : memref<10000x128xf32, #tpu.memory_space<vmem>>, vector<10000x128xf32>
    %get3A_2 = arith.constant 0 : index
    %get3A_3 = arith.constant 0 : index
    %get3A_4 = vector.load %arg1[%get3A_2, %get3A_3] : memref<128x128xf32, #tpu.memory_space<vmem>>, vector<128x128xf32>
    %dot_general3A = arith.constant dense<0.000000e+00> : vector<10000x128xf32>
    %dot_general3A_5 = tpu.matmul %get3A_1, %get3A_4, %dot_general3A {dimension_numbers = #tpu.dot_dimension_numbers<[1], [0], [0], [1], [0, 0, 1, 1], [], []>, transpose_lhs_hint = false} : vector<10000x128xf32>, vector<128x128xf32>, vector<10000x128xf32> -> vector<10000x128xf32>
    %swap3A = arith.constant 0 : index
    %swap3A_6 = arith.constant 0 : index
    %swap3A_7 = vector.load %arg4[%swap3A, %swap3A_6] : memref<10000x144xf32, #tpu.memory_space<vmem>>, vector<10000x128xf32>
    tpu.vector_store %arg4[%swap3A, %swap3A_6], %dot_general3A_5 {strides = array<i32>} : memref<10000x144xf32, #tpu.memory_space<vmem>>, vector<10000x128xf32>,
    %get3A_8 = arith.constant 0 : index
    %get3A_9 = arith.constant 0 : index
    %get3A_10 = vector.load %arg2[%get3A_8, %get3A_9] : memref<1x128xf32, #tpu.memory_space<vmem>>, vector<1x128xf32>
    %mul3A = vector.broadcast %get3A_10 : vector<1x128xf32> to vector<10000x128xf32>
    %mul3A_11 = arith.mulf %dot_general3A_5, %mul3A : vector<10000x128xf32>
    %reduce_sum3A = arith.constant dense<0.000000e+00> : vector<10000xf32>
    %reduce_sum3A_12 = vector.multi_reduction <add>, %mul3A_11, %reduce_sum3A [1] : vector<10000x128xf32> to vector<10000xf32>
    %broadcast_in_dim3A = vector.shape_cast %reduce_sum3A_12 : vector<10000xf32> to vector<10000x1xf32>
    %get3A_13 = arith.constant 0 : index
    %get3A_14 = arith.constant 0 : index
    %get3A_15 = vector.load %arg3[%get3A_13, %get3A_14] : memref<1x128xf32, #tpu.memory_space<vmem>>, vector<1x128xf32>
    %mul3A_16 = vector.broadcast %get3A_15 : vector<1x128xf32> to vector<10000x128xf32>
    %mul3A_17 = arith.mulf %dot_general3A_5, %mul3A_16 : vector<10000x128xf32>
    %reduce_sum3A_18 = arith.constant dense<0.000000e+00> : vector<10000xf32>
    %reduce_sum3A_19 = vector.multi_reduction <add>, %mul3A_17, %reduce_sum3A_18 [1] : vector<10000x128xf32> to vector<10000xf32>
    %broadcast_in_dim3A_20 = vector.shape_cast %reduce_sum3A_19 : vector<10000xf32> to vector<10000x1xf32>
    %iota3A = tpu.iota {dimensions = array<i32: 1>} : vector<10000x16xi32>
    %eq3A = arith.constant 0 : i32
    %eq3A_21 = vector.broadcast %eq3A : i32 to vector<10000x16xi32>
    %eq3A_22 = arith.cmpi eq, %iota3A, %eq3A_21 : vector<10000x16xi32>
    %eq3A_23 = arith.constant 1 : i32
    %eq3A_24 = vector.broadcast %eq3A_23 : i32 to vector<10000x16xi32>
    %eq3A_25 = arith.cmpi eq, %iota3A, %eq3A_24 : vector<10000x16xi32>
    %jit3A = arith.constant 0.000000e+00 : f32
    %broadcast_in_dim3A_26 = vector.shape_cast %broadcast_in_dim3A : vector<10000x1xf32> to vector<10000x1xf32>
    %broadcast_in_dim3A_27 = vector.broadcast %broadcast_in_dim3A_26 : vector<10000x1xf32> to vector<10000x16xf32>
    %broadcast_in_dim3A_28 = vector.broadcast %jit3A : f32 to vector<10000x16xf32>
    %select_n3A = arith.select %eq3A_25, %broadcast_in_dim3A_27, %broadcast_in_dim3A_28 : vector<10000x16xi1>, vector<10000x16xf32>
    %jit3A_29 = arith.constant 1.000000e+00 : f32
    %broadcast_in_dim3A_30 = vector.broadcast %jit3A_29 : f32 to vector<10000x16xf32>
    %select_n3A_31 = arith.select %eq3A_22, %broadcast_in_dim3A_30, %select_n3A : vector<10000x16xi1>, vector<10000x16xf32>
    %swap3A_32 = arith.constant 0 : index
    %swap3A_33 = arith.constant 128 : index
    %swap3A_34 = vector.load %arg4[%swap3A_32, %swap3A_33] : memref<10000x144xf32, #tpu.memory_space<vmem>>, vector<10000x16xf32>
    tpu.vector_store %arg4[%swap3A_32, %swap3A_33], %select_n3A_31 {strides = array<i32>} : memref<10000x144xf32, #tpu.memory_space<vmem>>, vector<10000x16xf32>,
    %eq3A_35 = arith.constant 0 : i32
    %eq3A_36 = vector.broadcast %eq3A_35 : i32 to vector<10000x16xi32>
    %eq3A_37 = arith.cmpi eq, %iota3A, %eq3A_36 : vector<10000x16xi32>
    %jit3A_38 = arith.constant 0.000000e+00 : f32
    %broadcast_in_dim3A_39 = vector.shape_cast %broadcast_in_dim3A_20 : vector<10000x1xf32> to vector<10000x1xf32>
    %broadcast_in_dim3A_40 = vector.broadcast %broadcast_in_dim3A_39 : vector<10000x1xf32> to vector<10000x16xf32>
    %broadcast_in_dim3A_41 = vector.broadcast %jit3A_38 : f32 to vector<10000x16xf32>
    %select_n3A_42 = arith.select %eq3A_37, %broadcast_in_dim3A_40, %broadcast_in_dim3A_41 : vector<10000x16xi1>, vector<10000x16xf32>
    %swap3A_43 = arith.constant 0 : index
    %swap3A_44 = arith.constant 0 : index
    %swap3A_45 = vector.load %arg5[%swap3A_43, %swap3A_44] : memref<10000x16xf32, #tpu.memory_space<vmem>>, vector<10000x16xf32>
    tpu.vector_store %arg5[%swap3A_43, %swap3A_44], %select_n3A_42 {strides = array<i32>} : memref<10000x16xf32, #tpu.memory_space<vmem>>, vector<10000x16xf32>,
    %add3A = arith.addf %broadcast_in_dim3A, %broadcast_in_dim3A_20 : vector<10000x1xf32>
    %mul3A_46 = arith.constant 2.000000e-01 : f32
    %mul3A_47 = vector.broadcast %mul3A_46 : f32 to vector<10000x1xf32>
    %mul3A_48 = arith.mulf %mul3A_47, %add3A : vector<10000x1xf32>
    %max3A = arith.maximumf %add3A, %mul3A_48 : vector<10000x1xf32>
    %exp3A = math.exp %max3A : vector<10000x1xf32>
    %mul3A_49 = arith.constant 2.000000e+00 : f32
    %mul3A_50 = vector.broadcast %mul3A_49 : f32 to vector<10000x1xf32>
    %mul3A_51 = arith.mulf %mul3A_50, %exp3A : vector<10000x1xf32>
    %swap3A_52 = arith.constant 0 : index
    %swap3A_53 = arith.constant 0 : index
    %swap3A_54 = vector.load %arg6[%swap3A_52, %swap3A_53] : memref<10000x1xf32, #tpu.memory_space<vmem>>, vector<10000x1xf32>
    tpu.vector_store %arg6[%swap3A_52, %swap3A_53], %mul3A_51 {strides = array<i32>} : memref<10000x1xf32, #tpu.memory_space<vmem>>, vector<10000x1xf32>,
    return
  }
}

module attributes {stable_mosaic.version = 14 : i64} {
  func.func @_post_body(%arg0: memref<2x10240x144xf32, #tpu.memory_space<vmem>>, %arg1: memref<10000x144xf32, #tpu.memory_space<vmem>>, %arg2: memref<10000x1xf32, #tpu.memory_space<vmem>>, %arg3: memref<1x10000xi32, #tpu.memory_space<vmem>>, %arg4: memref<1x128xf32, #tpu.memory_space<vmem>>, %arg5: memref<128x1xf32, #tpu.memory_space<vmem>>, %arg6: memref<1x1xf32, #tpu.memory_space<vmem>>, %arg7: memref<16x1xf32, #tpu.memory_space<vmem>>) attributes {dimension_semantics = [], scalar_prefetch = 0 : i64, scratch_operands = 0 : i64, tpu.core_type = #tpu.core_type<tc>} {
    %get3A = arith.constant 0 : index
    %get3A_0 = arith.constant 0 : index
    %get3A_1 = arith.constant 0 : index
    %get3A_2 = vector.load %arg0[%get3A, %get3A_0, %get3A_1] : memref<2x10240x144xf32, #tpu.memory_space<vmem>>, vector<1x10000x144xf32>
    %get3A_3 = vector.shape_cast %get3A_2 : vector<1x10000x144xf32> to vector<10000x144xf32>
    %get3A_4 = arith.constant 1 : index
    %get3A_5 = arith.constant 0 : index
    %get3A_6 = arith.constant 0 : index
    %get3A_7 = vector.load %arg0[%get3A_4, %get3A_5, %get3A_6] : memref<2x10240x144xf32, #tpu.memory_space<vmem>>, vector<1x10000x144xf32>
    %get3A_8 = vector.shape_cast %get3A_7 : vector<1x10000x144xf32> to vector<10000x144xf32>
    %add3A = arith.addf %get3A_3, %get3A_8 : vector<10000x144xf32>
    %get3A_9 = arith.constant 0 : index
    %get3A_10 = arith.constant 0 : index
    %get3A_11 = vector.load %arg1[%get3A_9, %get3A_10] : memref<10000x144xf32, #tpu.memory_space<vmem>>, vector<10000x128xf32>
    %get3A_12 = arith.constant 0 : index
    %get3A_13 = arith.constant 0 : index
    %get3A_14 = vector.load %arg2[%get3A_12, %get3A_13] : memref<10000x1xf32, #tpu.memory_space<vmem>>, vector<10000x1xf32>
    %slice3A = vector.extract_strided_slice %add3A {offsets = [0, 0], sizes = [10000, 128], strides = [1, 1]} : vector<10000x144xf32> to vector<10000x128xf32>
    %mul3A = vector.broadcast %get3A_14 : vector<10000x1xf32> to vector<10000x128xf32>
    %mul3A_15 = arith.mulf %mul3A, %get3A_11 : vector<10000x128xf32>
    %add3A_16 = arith.addf %slice3A, %mul3A_15 : vector<10000x128xf32>
    %slice3A_17 = vector.extract_strided_slice %add3A {offsets = [0, 128], sizes = [10000, 1], strides = [1, 1]} : vector<10000x144xf32> to vector<10000x1xf32>
    %add3A_18 = arith.addf %slice3A_17, %get3A_14 : vector<10000x1xf32>
    %add3A_19 = arith.constant 1.000000e-16 : f32
    %add3A_20 = vector.broadcast %add3A_19 : f32 to vector<10000x1xf32>
    %add3A_21 = arith.addf %add3A_18, %add3A_20 : vector<10000x1xf32>
    %div3A = vector.broadcast %add3A_21 : vector<10000x1xf32> to vector<10000x128xf32>
    %div3A_22 = arith.divf %add3A_16, %div3A : vector<10000x128xf32>
    %get3A_23 = arith.constant 0 : index
    %get3A_24 = arith.constant 0 : index
    %get3A_25 = vector.load %arg4[%get3A_23, %get3A_24] : memref<1x128xf32, #tpu.memory_space<vmem>>, vector<1x128xf32>
    %add3A_26 = vector.broadcast %get3A_25 : vector<1x128xf32> to vector<10000x128xf32>
    %add3A_27 = arith.addf %div3A_22, %add3A_26 : vector<10000x128xf32>
    %gt3A = arith.constant 0.000000e+00 : f32
    %gt3A_28 = vector.broadcast %gt3A : f32 to vector<10000x128xf32>
    %gt3A_29 = arith.cmpf ogt, %add3A_27, %gt3A_28 : vector<10000x128xf32>
    %exp3A = math.exp %add3A_27 : vector<10000x128xf32>
    %sub3A = arith.constant 1.000000e+00 : f32
    %sub3A_30 = vector.broadcast %sub3A : f32 to vector<10000x128xf32>
    %sub3A_31 = arith.subf %exp3A, %sub3A_30 : vector<10000x128xf32>
    %select_n3A = arith.select %gt3A_29, %add3A_27, %sub3A_31 : vector<10000x128xi1>, vector<10000x128xf32>
    %iota3A = tpu.iota {dimensions = array<i32: 0>} : vector<16x10000xi32>
    %get3A_32 = arith.constant 0 : index
    %get3A_33 = arith.constant 0 : index
    %get3A_34 = vector.load %arg3[%get3A_32, %get3A_33] : memref<1x10000xi32, #tpu.memory_space<vmem>>, vector<1x10000xi32>
    %eq3A = vector.broadcast %get3A_34 : vector<1x10000xi32> to vector<16x10000xi32>
    %eq3A_35 = arith.cmpi eq, %iota3A, %eq3A : vector<16x10000xi32>
    %jit3A = arith.constant 1.000000e+00 : f32
    %jit3A_36 = arith.constant 0.000000e+00 : f32
    %broadcast_in_dim3A = vector.broadcast %jit3A : f32 to vector<16x10000xf32>
    %broadcast_in_dim3A_37 = vector.broadcast %jit3A_36 : f32 to vector<16x10000xf32>
    %select_n3A_38 = arith.select %eq3A_35, %broadcast_in_dim3A, %broadcast_in_dim3A_37 : vector<16x10000xi1>, vector<16x10000xf32>
    %dot_general3A = arith.constant dense<0.000000e+00> : vector<16x128xf32>
    %dot_general3A_39 = tpu.matmul %select_n3A_38, %select_n3A, %dot_general3A {dimension_numbers = #tpu.dot_dimension_numbers<[1], [0], [0], [1], [0, 0, 1, 1], [], []>, transpose_lhs_hint = false} : vector<16x10000xf32>, vector<10000x128xf32>, vector<16x128xf32> -> vector<16x128xf32>
    %reduce_sum3A = arith.constant dense<0.000000e+00> : vector<16xf32>
    %reduce_sum3A_40 = vector.multi_reduction <add>, %select_n3A_38, %reduce_sum3A [1] : vector<16x10000xf32> to vector<16xf32>
    %broadcast_in_dim3A_41 = vector.shape_cast %reduce_sum3A_40 : vector<16xf32> to vector<16x1xf32>
    %max3A = arith.constant 1.000000e+00 : f32
    %max3A_42 = vector.broadcast %max3A : f32 to vector<16x1xf32>
    %max3A_43 = arith.maximumf %broadcast_in_dim3A_41, %max3A_42 : vector<16x1xf32>
    %div3A_44 = vector.broadcast %max3A_43 : vector<16x1xf32> to vector<16x128xf32>
    %div3A_45 = arith.divf %dot_general3A_39, %div3A_44 : vector<16x128xf32>
    %get3A_46 = arith.constant 0 : index
    %get3A_47 = arith.constant 0 : index
    %get3A_48 = vector.load %arg5[%get3A_46, %get3A_47] : memref<128x1xf32, #tpu.memory_space<vmem>>, vector<128x1xf32>
    %dot_general3A_49 = arith.constant dense<0.000000e+00> : vector<16x1xf32>
    %dot_general3A_50 = tpu.matmul %div3A_45, %get3A_48, %dot_general3A_49 {dimension_numbers = #tpu.dot_dimension_numbers<[1], [0], [0], [1], [0, 0, 1, 1], [], []>, transpose_lhs_hint = false} : vector<16x128xf32>, vector<128x1xf32>, vector<16x1xf32> -> vector<16x1xf32>
    %get3A_51 = arith.constant 0 : index
    %get3A_52 = arith.constant 0 : index
    %get3A_53 = vector.load %arg6[%get3A_51, %get3A_52] : memref<1x1xf32, #tpu.memory_space<vmem>>, vector<1x1xf32>
    %add3A_54 = vector.broadcast %get3A_53 : vector<1x1xf32> to vector<16x1xf32>
    %add3A_55 = arith.addf %dot_general3A_50, %add3A_54 : vector<16x1xf32>
    %swap3A = arith.constant 0 : index
    %swap3A_56 = arith.constant 0 : index
    %swap3A_57 = vector.load %arg7[%swap3A, %swap3A_56] : memref<16x1xf32, #tpu.memory_space<vmem>>, vector<16x1xf32>
    tpu.vector_store %arg7[%swap3A, %swap3A_56], %add3A_55 {strides = array<i32>} : memref<16x1xf32, #tpu.memory_space<vmem>>, vector<16x1xf32>,
    return
  }
}

</mosaic_0001>

<sc_bundles>
// kernel: kernel.5.cloned.1.call-start
scs
__scs_entry_jumppad:
0x0: {  	(pc) =	sbr.rel $0x88, $3  }
0x1: {  	(tag) =	ssettag $0x0;
	lr =	simm.s32 $0x1  }
0x2: {  	[smem:$0x3F98] =	sst lr;
	_ =	strace $0xD0000000  }
0x3: {  	_ = 	snop  }
0x4: {  	_ = 	snop  }
0x5: {  	_ = 	snop  }
0x6: {  	_ = 	snop  }
0x7: {  	_ = 	snop  }
__scs_overlays_trampoline_lowered:
0x8: {  	[smem:$0x3FA7] =	sst s0  }
0x9: {  	[smem:$0x3FA8] =	sst s1  }
0xa: {  	[smem:$0x3FA9] =	sst s2  }
0xb: {  	[smem:$0x3FAA] =	sst s3  }
0xc: {  	[smem:$0x3FAB] =	sst s4  }
0xd: {  	[smem:$0x3FAC] =	sst s5  }
0xe: {  	[smem:$0x3FAD] =	sst s6  }
0xf: {  	[smem:$0x3FAE] =	sst s7  }
0x10: {  	[smem:$0x3FAF] =	sst s8  }
0x11: {  	[smem:$0x3FB0] =	sst s9;
	s0 =	simm.s32 @!p0 $0x0  }
0x12: {  	s1 =	sld [smem:$0x3F96];
	s0 =	simm.s32 @p0 $0x1  }
0x13: {  	[smem:$0x3FB1] =	sst s0;
	s0 =	simm.s32 @!p1 $0x0  }
0x14: {  	s2 =	sld [smem:$0x3F95];
	s0 =	simm.s32 @p1 $0x1  }
0x15: {  	[smem:$0x3FB2] =	sst s0;
	s0 =	simm.s32 @!p2 $0x0  }
0x16: {  	s3 =	sld [smem:$0x3FDB];
	s0 =	simm.s32 @p2 $0x1  }
0x17: {  	s4 =	simm.s32 $0x1BF5;
	[smem:$0x3FB4] =	sst s0  }
0x18: {  	s0 =	sld [smem:$0x3F97];
	_ =	swait.ge [sflag:s4], $0x0  }
0x19: {  	s7 =	sld [smem:$0x3F98]  }
0x1a: {  	s8 =	sadd.s32 $0xFFFFE003, lr  }
0x1b: {  	s9 =	sadd.s32 $0xFFFFFEF7, lr;
	s5 =	simm.s32 $0xFFFFFFFF;
	p2 =	slt.u32 s8, $0xFFFFF086  }
0x1c: {  	p1 =	slt.u32 s9, $0xF7A;
	s5 =	simm.s32 @!p2 $0x0  }
0x1d: {  	s5 =	simm.s32 @p1 $0x1;
	p0 =	seq.s32 s7, s2  }
0x1e: {  	s7 =	smul.u32 @!p0 $0xF7A, s2;
	p2 =	seq.s32 @!p0 s5, $0x0  }
0x1f: {  	s9 =	smul.u32 $0xF7A, s1;
	s8 =	simm.s32 @!p0 $0x1BF5;
	p2 =	por !p2, p0  }
0x20: {  	[sflag:s8] =	ssyncset.s32 @!p0 $0xFFFFF086;
	s6 =	sadd.s32 @!p0 s3, s7;
	s7 =	simm.s32 @!p0 $0x108  }
0x21: {  	s3 =	sadd.s32 s3, s9;
	s6 =	sadd.s32 @!p0 $0x88, s6;
	s7 =	simm.s32 @p2 $0x1082  }
0x22: {  	[simem:s7], [sflag:s8] =	dma.local @!p0 [hbm:s6], $0xF7A  }
0x23: {  	s9 =	sor.u32 $0xD0000000, s2;
	s6 =	simm.s32 $0x108;
	_ =	swait.ge @!p0 [sflag:s8], $0x0  }
0x24: {  	s3 =	sadd.s32 $0x88, s3;
	s6 =	simm.s32 @!p1 $0x1082;
	[sflag:s4] =	ssyncset.s32 $0xFFFFF086  }
0x25: {  	[simem:s6], [sflag:s4] =	dma.local [hbm:s3], $0xF7A  }
0x26: {  	[smem:$0x3F98] =	sst s1;
	(tag) =	ssettag s2;
	_ =	strace s9  }
0x27: {  	s1 =	sld [smem:$0x3FA8]  }
0x28: {  	s2 =	sld [smem:$0x3FA9]  }
0x29: {  	s4 =	sld [smem:$0x3FAB]  }
0x2a: {  	p0 =	seq.s32 s5, $0x0;
	s5 =	sld [smem:$0x3FAC]  }
0x2b: {  	s6 =	sld [smem:$0x3FAD]  }
0x2c: {  	s7 =	sld [smem:$0x3FAE]  }
0x2d: {  	s3 =	simm.s32 $0x108;
	s8 =	sld [smem:$0x3FAF]  }
0x2e: {  	s3 =	simm.s32 @!p0 $0x1082;
	s9 =	sld [smem:$0x3FB0]  }
0x2f: {  	lr =	sadd.s32 s0, s3;
	s0 =	sld [smem:$0x3FA7]  }
0x30: {  	s3 =	sld [smem:$0x3FAA]  }
0x31: {  	[smem:$0x3FB3] =	sst s10  }
0x32: {  	s10 =	sld [smem:$0x3FB1];
	_ =	sdelay $0x3  }
0x33: {  	p0 =	seq.s32 s10, $0x1;
	s10 =	sld [smem:$0x3FB3];
	_ =	sdelay $0x3  }
0x34: {  	[smem:$0x3FB3] =	sst s10  }
0x35: {  	s10 =	sld [smem:$0x3FB2];
	_ =	sdelay $0x3  }
0x36: {  	p1 =	seq.s32 s10, $0x1;
	s10 =	sld [smem:$0x3FB3];
	_ =	sdelay $0x3  }
0x37: {  	[smem:$0x3FB3] =	sst s10  }
0x38: {  	s10 =	sld [smem:$0x3FB4]  }
0x39: {  	_ = 	snop;
	(pc) =	sbr.ind lr, $3  }
0x3a: {  	_ = 	snop  }
0x3b: {  	_ = 	snop  }
0x3c: {  	p2 =	seq.s32 s10, $0x1;
	s10 =	sld [smem:$0x3FB3]  }
0x3d: {  	_ =	shalt  }
0x3e: {  	_ =	shalt  }
0x3f: {  	_ =	shalt  }
0x40: {  	_ =	shalt  }
0x41: {  	_ =	shalt  }
0x42: {  	_ =	shalt  }
0x43: {  	_ =	shalt  }
0x44: {  	_ =	shalt  }
0x45: {  	_ =	shalt  }
0x46: {  	_ =	shalt  }
0x47: {  	_ =	shalt  }
0x48: {  	_ =	shalt  }
0x49: {  	_ =	shalt  }
0x4a: {  	_ =	shalt  }
0x4b: {  	_ =	shalt  }
0x4c: {  	_ =	shalt  }
0x4d: {  	_ =	shalt  }
0x4e: {  	_ =	shalt  }
0x4f: {  	_ =	shalt  }
0x50: {  	_ =	shalt  }
0x51: {  	_ =	shalt  }
0x52: {  	_ =	shalt  }
0x53: {  	_ =	shalt  }
0x54: {  	_ =	shalt  }
0x55: {  	_ =	shalt  }
0x56: {  	_ =	shalt  }
0x57: {  	_ =	shalt  }
0x58: {  	_ =	shalt  }
0x59: {  	_ =	shalt  }
0x5a: {  	_ =	shalt  }
0x5b: {  	_ =	shalt  }
0x5c: {  	_ =	shalt  }
0x5d: {  	_ =	shalt  }
0x5e: {  	_ =	shalt  }
0x5f: {  	_ =	shalt  }
0x60: {  	_ =	shalt  }
0x61: {  	_ =	shalt  }
0x62: {  	_ =	shalt  }
0x63: {  	_ =	shalt  }
0x64: {  	_ =	shalt  }
0x65: {  	_ =	shalt  }
0x66: {  	_ =	shalt  }
0x67: {  	_ =	shalt  }
0x68: {  	_ =	shalt  }
0x69: {  	_ =	shalt  }
0x6a: {  	_ =	shalt  }
0x6b: {  	_ =	shalt  }
0x6c: {  	_ =	shalt  }
0x6d: {  	_ =	shalt  }
0x6e: {  	_ =	shalt  }
0x6f: {  	_ =	shalt  }
0x70: {  	_ =	shalt  }
0x71: {  	_ =	shalt  }
0x72: {  	_ =	shalt  }
0x73: {  	_ =	shalt  }
0x74: {  	_ =	shalt  }
0x75: {  	_ =	shalt  }
0x76: {  	_ =	shalt  }
0x77: {  	_ =	shalt  }
0x78: {  	_ =	shalt  }
0x79: {  	_ =	shalt  }
0x7a: {  	_ =	shalt  }
0x7b: {  	_ =	shalt  }
0x7c: {  	_ =	shalt  }
0x7d: {  	_ =	shalt  }
0x7e: {  	_ =	shalt  }
0x7f: {  	_ =	shalt  }
0x80: {  	_ =	shalt  }
0x81: {  	_ =	shalt  }
0x82: {  	_ =	shalt  }
0x83: {  	_ =	shalt  }
0x84: {  	_ =	shalt  }
0x85: {  	_ =	shalt  }
0x86: {  	_ =	shalt  }
0x87: {  	_ =	shalt  }
.Lfunc_end0:
.L_simem_size_0:
called_computation_lowered:
.L_overlay_start_0:
0x88: {  	s2 =	sld [smem:$0x3FD9]  }
0x89: {  	s3 =	sld [smem:$0x3FFE];
	_ =	sdelay $0x1  }
0x8a: {  	s1 =	srdreg.scid  }
0x8b: {  	s0 =	sand.u32 $0x1, s1  }
0x8c: {  	s16 =	sshll.u32 s0, $0xA;
	s2 =	sadd.s32 s3, s2  }
0x8d: {  	s2 =	sadd.s32 s2, s16  }
0x8e: {  	[smem:$0x3FBF] =	sst s2  }
0x8f: {  	_ = 	snop  }
0x90: {  	(tm) =	ssettm $0x1  }
0x91: {  	s17 =	sld [smem:$0x3FFB];
	_ =	sdelay $0x3  }
0x92: {  	_ =	strace s17  }
0x93: {  	s2 =	sld [smem:$0x3FFC];
	_ =	sdelay $0x3  }
0x94: {  	_ =	strace s2  }
0x95: {  	s2 =	sld [smem:$0x3FFD];
	_ =	sdelay $0x3  }
0x96: {  	_ =	strace s2  }
0x97: {  	_ =	strace $0x8FFFFFFF  }
0x98: {  	s18 =	sld [smem:$0x3FDB];
	_ =	sdelay $0x1  }
0x99: {  	s19 =	simm.s32 $_scs_section_size  }
0x9a: {  	s4 =	simm.s32 $_size__tile_overlayer_lowered;
	s5 =	simm.s32 $_tile_overlayer_lowered  }
0x9b: {  	s22 =	simm.s32 $0x1BFF;
	s21 =	sshll.u32 s5, $0x1;
	s2 =	sadd.s32 s19, s18  }
0x9c: {  	s6 =	simm.s32 $0x0;
	s20 =	sshll.u32 s4, $0x1;
	s4 =	sadd.s32 s21, s2  }
0x9d: {  	[timem:s6], [sflag:s22] =	dma.local [hbm:s4], s20  }
0x9e: {  	_ =	swait.ge [sflag:s22], s20  }
0x9f: {  	s3 =	ssub.s32 $0x0, s20;
	[sflag:s22] =	ssyncset.done $0x0  }
0xa0: {  	[sflag:s22] =	ssyncadd.s32 s3;
	_ =	sdelay $0x1  }
0xa1: {  	s23 =	simm.s32 $0x1B8B  }
0xa2: {  	_ =	swait.ge [sflag:s23], $0x1  }
0xa3: {  	[sflag:s23] =	ssyncset.done $0x0  }
0xa4: {  	s25 =	simm.s32 $0x1B8E;
	s24 =	sld [smem:$0x3FFE];
	[sflag:s23] =	ssyncadd.s32 $0xFFFFFFFF  }
0xa5: {  	s26 =	simm.s32 $execute0_lowered;
	[smem:$0x3FD2] =	sst s25  }
0xa6: {  	s4 =	sshll.u32 s26, $0x1;
	_ =	strace $0x80000046;
	[dreg:$0x1] =	wrdreg $0xFFFFFFFF  }
0xa7: {  	s28 =	simm.s32 $_size_execute0_lowered;
	s2 =	sadd.s32 s2, s4;
	[dreg:$0x0] =	wrdreg $0x0  }
0xa8: {  	s4 =	sshll.u32 s28, $0x1;
	[dreg:$0x2] =	wrdreg s2  }
0xa9: {  	[dreg:$0x3] =	wrdreg s4  }
0xaa: {  	[dreg:$0x4] =	wrdreg $0xC0  }
0xab: {  	_ =	task [dreg:s6], $0x5FFFF  }
0xac: {  	[dreg:$0x1] =	wrdreg $0xFFFFFFFF  }
0xad: {  	[dreg:$0x0] =	wrdreg $0x60  }
0xae: {  	[dreg:$0x2] =	wrdreg s24  }
0xaf: {  	[dreg:$0x3] =	wrdreg $0x73A00  }
0xb0: {  	[dreg:$0x4] =	wrdreg $0x9  }
0xb1: {  	_ =	task.clear_ibuf [dreg:s6], $0x5FFFF;
	_ =	strace $0x90000046  }
0xb2: {  	s29 =	simm.s32 $0x9;
	_ =	strace $0x80000048  }
0xb3: {  	_ =	swait.ge [sflag:s29], $0x1  }
0xb4: {  	[sflag:s29] =	ssyncadd.s32 $0xFFFFFFFF  }
0xb5: {  	_ =	strace $0x90000048  }
0xb6: {  	_ =	sfence  }
0xb7: {  	s30 =	sld [smem:$0x0];
	_ =	sdelay $0x2  }
0xb8: {  	s31 =	sshll.u32 s1, $0xD;
	s1 =	sshrl.u32 s1, $0x2  }
0xb9: {  	s3 =	sand.u32 $0x4000, s31;
	s1 =	sadd.s32 s1, s30  }
0xba: {  	s0 =	sor.u32 s3, s0;
	s1 =	sshll.u32 s1, $0x11  }
0xbb: {  	s0 =	sor.u32 s1, s0  }
0xbc: {  	s0 =	sadd.s32 $0x8F2B, s0  }
0xbd: {  	[sflag:s0] =	ssyncadd.remote.s32 $0x1  }
0xbe: {  	_ =	sfence.sel $0xFFFF  }
0xbf: {  	[dreg:$0x0] =	wrdreg $0xFFFFFFFF;
	(pc) =	sbr.abs _section_cstart, $3  }
0xc0: {  	[dreg:$0x1] =	wrdreg $0xFFFFFFFF  }
0xc1: {  	_ =	task.clear_ibuf [dreg:s6], $0x2FFFF;
	_ =	strace $0x9FFFFFFF  }
0xc2: {  	(tm) =	ssettm $0x7FFFFFFF  }
0xc3: {  	_ =	shalt  }
tec
execute0_lowered:
.L_overlay_start_1:
0x0: {  	(tag) =	ssettag $0x1  }
0x1: {  	s0 =	rddreg [dreg:$0x0]  }
0x2: {  	s2 =	rddreg [dreg:$0x1];
	s4 =	srdreg.scid  }
0x3: {  	s1 =	stileid.u32;
	s3 =	simm.s32 $0x0;
	s14 =	simm.s32 $0x5  }
0x4: {  	s15 =	simm.s32 $0x7D0;
	s16 =	simm.s32 $0x50;
	s17 =	simm.s32 $0xFA0  }
0x5: {  	s18 =	simm.s32 $0x69A0;
	s19 =	simm.s32 $0x1;
	s20 =	simm.s32 $0x3CA0  }
0x6: {  	s21 =	simm.s32 $0x6EA0;
	s22 =	simm.s32 $0x2;
	s23 =	simm.s32 $0x3  }
0x7: {  	s24 =	simm.s32 $0x4;
	s25 =	simm.s32 $0xF50;
	s9 =	sand.u32 $0x1, s4  }
0x8: {  	s10 =	smul.u32 $0x16800, s1;
	[smem:$0x7FF] =	sst s3;
	s4 =	sadd.s32 $0x4F600, s0  }
0x9: {  	s5 =	sadd.s32 $0x7B600, s0;
	s6 =	sadd.s32 $0x8A400, s0;
	s7 =	sadd.s32 $0x80600, s0  }
0xa: {  	s31 =	sshll.u32 s1, $0x6;
	s8 =	smul.u32 $0x168000, s9;
	s12 =	ssub.s32 $0x2, s9  }
0xb: {  	_ =	strace $0x80000047;
	s9 =	sshll.u32 s9, $0x4;
	s29 =	sshrl.u32 s12, $0x1  }
0xc: {  	s30 =	sor.u32 s1, s9;
	s13 =	sadd.s32 s10, s2;
	s11 =	sadd.s32 s10, s8  }
0xd: {  	s9 =	sor.u32 $0x1C05, s31;
	s8 =	sadd.s32 $0x94200, s0;
	s11 =	sshrl.u32 s11, $0x3  }
0xe: {  	s12 =	ssub.s32 s12, s29;
	s10 =	smul.u32 $0x7D, s30;
	s0 =	sadd.s32 s11, s0  }
0xf: {  	v0 =	vlaneseq.u32;
	s13 =	sshrl.u32 s13, $0x3;
	s12 =	smax.u32 s12, $0x1;
	s11 =	sadd.s32 $0x97000, s0  }
.LBB2_1:
0x10: {  	[spmem:s13], [sflag:s9] =	dma.local [hbm:s8], $0x2D00  }
0x11: {  	_ =	swait.ge [sflag:s14], $0x2D00  }
0x12: {  	[sflag:s14] =	ssyncset.done $0x0  }
0x13: {  	[sflag:s14] =	ssyncadd.s32 $0xFFFFD300  }
0x14: {  	s26 =	simm.s32 $0x0;
	[bflag:$0x0] =	sbarrier.arrive $0xFFFF  }
.LBB2_2:
0x15: {  	s0 =	smul.u32 $0x19, s26;
	_ =	sdelay $0x1  }
0x16: {  	s0 =	sadd.s32 s10, s0  }
0x17: {  	s0 =	smul.u32 $0xA, s0;
	_ =	sdelay $0x1  }
0x18: {  	s28 =	simm.s32 $0x0;
	s29 =	sadd.s32 s6, s0  }
0x19: {  	[tilespmem:s28], [sflag:$0x5] =	stream.linear.gather [hbm4b:s29+s28], $0x7D0, $0x38;
	[tilespmem:$0x1DBA0] =	vst v63  }
0x1a: {  	_ =	swait.ge [sflag:s14], $0x7D0  }
0x1b: {  	[sflag:s14] =	ssyncset.done $0x0  }
0x1c: {  	s0 =	sadd.s32 s7, s0;
	[sflag:s14] =	ssyncadd.s32 $0xFFFFF830  }
0x1d: {  	[tilespmem:s15], [sflag:$0x5] =	stream.linear.gather [hbm4b:s0+s28], $0x7D0, $0x38;
	[tilespmem:$0x1DBA0] =	vst v63  }
0x1e: {  	_ =	swait.ge [sflag:s14], $0x7D0  }
0x1f: {  	[sflag:s14] =	ssyncset.done $0x0  }
0x20: {  	[sflag:s14] =	ssyncadd.s32 $0xFFFFF830  }
0x21: {  	[tilespmem:s17], [sflag:$0x1] =	stream.indirect.gather [hbm4b:s4+s16], $0x90, s28, s16, $0xb8;
	[tilespmem:$0x1DBA0] =	vst v63  }
0x22: {  	_ = 	snop  }
0x23: {  	[tilespmem:s18], [sflag:$0x1] =	stream.indirect.gather [hbm4b:s5+s16], $0x10, s15, s16, $0xb8;
	[tilespmem:$0x1DBA0] =	vst v63  }
.LBB2_3:
0x24: {  	_ =	swait.ge [sflag:s19], $0x2D00  }
0x25: {  	[sflag:s19] =	ssyncset.done $0x0  }
0x26: {  	[sflag:s19] =	ssyncadd.s32 $0xFFFFD300  }
0x27: {  	_ =	swait.ge [sflag:s19], $0x500  }
0x28: {  	p0 =	seq.s32 s28, $0x0;
	[sflag:s19] =	ssyncset.done $0x0  }
0x29: {  	s0 =	simm.s32 @!p0 $0x4;
	[sflag:s19] =	ssyncadd.s32 $0xFFFFFB00  }
0x2a: {  	s30 =	smul.u32 $0xA0, s28;
	_ =	swait.ge @!p0 [sflag:s0], $0x2D00  }
0x2b: {  	[sflag:s0] =	ssyncset.done @!p0 $0x0  }
0x2c: {  	[sflag:s0] =	ssyncadd.s32 @!p0 $0xFFFFD300;
	s0 =	sadd.s32 $0x50, s30  }
0x2d: {  	[tilespmem:s20], [sflag:$0x2] =	stream.indirect.gather [hbm4b:s4+s16], $0x90, s0, s16, $0xb8;
	[tilespmem:$0x1DBA0] =	vst v63  }
0x2e: {  	s31 =	simm.s32 $0x0;
	s29 =	sadd.s32 $0x820, s30  }
0x2f: {  	[tilespmem:s21], [sflag:$0x2] =	stream.indirect.gather [hbm4b:s5+s16], $0x10, s29, s16, $0xb8;
	[tilespmem:$0x1DBA0] =	vst v63  }
.LBB2_4:
0x30: {  	s0 =	sshll.u32 s31, $0x4  }
0x31: {  	v2 =	vor.u32 s0, v0  }
0x32: {  	v1 =	vmul.u32 $0x90, v2  }
0x33: {  	v2 =	vshll.u32 v2, $0x4  }
0x34: {  	v3 =	vadd.s32 $0x81, v1;
	_ =	sdelay $0x3  }
0x35: {  	v2 =	vld.idx.msk [tilespmem:v2+s18+$0x0], $0xffff  }
0x36: {  	v3 =	vld.idx.msk [tilespmem:v3+s17+$0x0], $0xffff;
	_ =	sdelay $0x4  }
0x37: {  	s0 =	simm.s32 $0x0;
	v2 =	vadd.f32 v2, v3  }
0x38: {  	v3 =	vmov s0  }
0x39: {  	v3 =	vshrl.u32 v3, $0x3;
	v4 =	vmul.f32 $2.000000030e-01, v2  }
0x3a: {  	v3 =	vshll.u32 v3, $0x3  }
0x3b: {  	v11 =	vbroadcast v3, $0x0;
	v2 =	vmax.f32 v2, v4  }
0x3c: {  	v2 =	vmul.f32 $1.442695020e+00, v2  }
0x3d: {  	v6 =	vor.u32 $0x1, v1;
	v3 =	vadd.s32 v1, v11  }
0x3e: {  	v7 =	vor.u32 $0x2, v1;
	v8 =	vadd.s32 v6, v11;
	(erf) = vpow2.f32 v2  }
0x3f: {  	v9 =	vor.u32 $0x6, v1;
	v24 =	vadd.s32 v7, v11  }
0x40: {  	v10 =	vor.u32 $0x5, v1;
	s0 =	simm.s32 $0x8;
	v12 =	vadd.s32 v9, v11  }
0x41: {  	v13 =	vor.u32 $0x7, v1;
	v4 =	vadd.s32 v10, v11;
	v2 =	vmov s0  }
0x42: {  	v16 =	vor.u32 $0x3, v1;
	v5 =	vadd.s32 v13, v11;
	v2 =	vshrl.u32 v2, $0x3;
	v31 =	vld.idx.msk [tilespmem:v3+s17+$0x0], $0xffff  }
0x43: {  	v19 =	vor.u32 $0x4, v1;
	v17 =	vadd.s32 v16, v11;
	v2 =	vshll.u32 v2, $0x3;
	v21 =	vld.idx.msk [tilespmem:v8+s17+$0x0], $0xffff  }
0x44: {  	v14 =	vadd.s32 v19, v11;
	v33 =	vld.idx.msk [tilespmem:v24+s17+$0x0], $0xffff;
	v30 =	vbroadcast v2, $0x0  }
0x45: {  	v29 =	vld.idx.msk [tilespmem:v12+s17+$0x0], $0xffff  }
0x46: {  	v25 =	vld.idx.msk [tilespmem:v4+s17+$0x0], $0xffff;
	v18 =	vadd.s32 v1, v30  }
0x47: {  	v26 =	vld.idx.msk [tilespmem:v5+s17+$0x0], $0xffff;
	v23 =	vadd.s32 v6, v30;
	v22 =	vadd.s32 v16, v30;
	v15 =	vadd.s32 v19, v30;
	v2 =	vpop (erf)  }
0x48: {  	v27 =	vld.idx.msk [tilespmem:v17+s17+$0x0], $0xffff;
	v20 =	vadd.s32 v7, v30;
	v11 =	vadd.s32 v13, v30;
	v32 =	vmul.f32 v21, v2  }
0x49: {  	v28 =	vld.idx.msk [tilespmem:v14+s17+$0x0], $0xffff;
	v21 =	vadd.s32 v9, v30;
	v31 =	vmul.f32 v31, v2;
	v33 =	vmul.f32 v33, v2  }
.LBB2_5:
0x4a: {  	s0 =	sadd.s32 $0x8, s0;
	v34 =	vadd.s32 v10, v30;
	[tilespmem:v8+s17+$0x0] =	vst.idx.msk $0xffff, v32;
	v29 =	vmul.f32 v29, v2;
	v8 =	vmov v23  }
0x4b: {  	v36 =	vmovc v22;
	v32 =	vmov v14;
	v30 =	vmov s0;
	p0 =	slt.u32 s0, $0x88;
	v35 =	vld.idx.msk [tilespmem:v18+s17+$0x0], $0xffff;
	[tilespmem:v24+s17+$0x0] =	vst.idx.msk $0xffff, v33;
	v24 =	vmul.f32 v25, v2  }
0x4c: {  	v22 =	vmul.f32 v26, v2;
	v25 =	vshrl.u32 v30, $0x3;
	v33 =	vld.idx.msk [tilespmem:v23+s17+$0x0], $0xffff;
	[tilespmem:v3+s17+$0x0] =	vst.idx.msk $0xffff, v31;
	v3 =	vmov v18  }
0x4d: {  	v14 =	vmov v15;
	v27 =	vmul.f32 v27, v2;
	v18 =	vshll.u32 v25, $0x3;
	v37 =	vld.idx.msk [tilespmem:v20+s17+$0x0], $0xffff;
	[tilespmem:v12+s17+$0x0] =	vst.idx.msk $0xffff, v29  }
0x4e: {  	v28 =	vmul.f32 v28, v2;
	v30 =	vbroadcast v18, $0x0;
	v29 =	vld.idx.msk [tilespmem:v21+s17+$0x0], $0xffff;
	[tilespmem:v4+s17+$0x0] =	vst.idx.msk $0xffff, v24;
	v4 =	vmov v34  }
.Ltmp0:
0x4f: {  	v12 =	vmov v21;
	v25 =	vld.idx.msk [tilespmem:v34+s17+$0x0], $0xffff;
	[tilespmem:v5+s17+$0x0] =	vst.idx.msk $0xffff, v22;
	v24 =	vmov v20;
	v5 =	vmov v11;
	(pc) =	sbr.rel @p0 .LBB2_5-.Ltmp0, $4  }
0x50: {  	v18 =	vadd.s32 v1, v30;
	v23 =	vadd.s32 v6, v30;
	v26 =	vld.idx.msk [tilespmem:v11+s17+$0x0], $0xffff;
	[tilespmem:v17+s17+$0x0] =	vst.idx.msk $0xffff, v27  }
0x51: {  	v22 =	vadd.s32 v16, v30;
	v15 =	vadd.s32 v19, v30;
	v27 =	vld.idx.msk [tilespmem:v36+s17+$0x0], $0xffff;
	[tilespmem:v32+s17+$0x0] =	vst.idx.msk $0xffff, v28  }
0x52: {  	v20 =	vadd.s32 v7, v30;
	v11 =	vadd.s32 v13, v30;
	v32 =	vmul.f32 v33, v2;
	v28 =	vld.idx.msk [tilespmem:v14+s17+$0x0], $0xffff  }
0x53: {  	v21 =	vadd.s32 v9, v30;
	v31 =	vmul.f32 v35, v2;
	v17 =	vmovc v36;
	v33 =	vmul.f32 v37, v2  }
0x54: {  	_ =	sdelay $0x3  }
0x55: {  	[tilespmem:v8+s17+$0x0] =	vst.idx.msk $0xffff, v32  }
0x56: {  	v1 =	vadd.s32 v10, v30;
	v6 =	vmul.f32 v29, v2;
	v7 =	vld.idx.msk [tilespmem:v23+s17+$0x0], $0xffff;
	[tilespmem:v24+s17+$0x0] =	vst.idx.msk $0xffff, v33  }
0x57: {  	v52 =	vmul.f32 v25, v2;
	v9 =	vld.idx.msk [tilespmem:v18+s17+$0x0], $0xffff;
	[tilespmem:v3+s17+$0x0] =	vst.idx.msk $0xffff, v31  }
0x58: {  	v55 =	vld.idx.msk [tilespmem:v21+s17+$0x0], $0xffff;
	v53 =	vmul.f32 v26, v2;
	[tilespmem:v12+s17+$0x0] =	vst.idx.msk $0xffff, v6  }
0x59: {  	v3 =	vld.idx.msk [tilespmem:v20+s17+$0x0], $0xffff;
	v54 =	vmul.f32 v27, v2;
	[tilespmem:v4+s17+$0x0] =	vst.idx.msk $0xffff, v52  }
0x5a: {  	v58 =	vld.idx.msk [tilespmem:v11+s17+$0x0], $0xffff;
	v56 =	vmul.f32 v28, v2;
	[tilespmem:v5+s17+$0x0] =	vst.idx.msk $0xffff, v53  }
0x5b: {  	[tilespmem:v17+s17+$0x0] =	vst.idx.msk $0xffff, v54;
	v57 =	vld.idx.msk [tilespmem:v1+s17+$0x0], $0xffff;
	v59 =	vmul.f32 v7, v2  }
0x5c: {  	v60 =	vld.idx.msk [tilespmem:v22+s17+$0x0], $0xffff;
	[tilespmem:v14+s17+$0x0] =	vst.idx.msk $0xffff, v56;
	v9 =	vmul.f32 v9, v2  }
0x5d: {  	v61 =	vld.idx.msk [tilespmem:v15+s17+$0x0], $0xffff;
	v62 =	vmul.f32 v55, v2;
	[tilespmem:v23+s17+$0x0] =	vst.idx.msk $0xffff, v59  }
0x5e: {  	s31 =	sadd.s32 $0x1, s31;
	v3 =	vmul.f32 v3, v2;
	[tilespmem:v18+s17+$0x0] =	vst.idx.msk $0xffff, v9  }
0x5f: {  	p0 =	sne.s32 s31, $0x5;
	v5 =	vmul.f32 v58, v2;
	[tilespmem:v21+s17+$0x0] =	vst.idx.msk $0xffff, v62  }
.Ltmp1:
0x60: {  	[tilespmem:v20+s17+$0x0] =	vst.idx.msk $0xffff, v3;
	v3 =	vmul.f32 v57, v2;
	(pc) =	sbr.rel @p0 .LBB2_4-.Ltmp1, $4  }
0x61: {  	v63 =	vmul.f32 v60, v2;
	[tilespmem:v11+s17+$0x0] =	vst.idx.msk $0xffff, v5  }
0x62: {  	[tilespmem:v1+s17+$0x0] =	vst.idx.msk $0xffff, v3;
	v1 =	vmul.f32 v61, v2  }
0x63: {  	[tilespmem:v22+s17+$0x0] =	vst.idx.msk $0xffff, v63  }
0x64: {  	[tilespmem:v15+s17+$0x0] =	vst.idx.msk $0xffff, v1  }
0x65: {  	s0 =	smul.u32 $0x280, s28;
	_ =	sdelay $0x1  }
0x66: {  	s0 =	sshra.s32 s0, $0x2  }
0x67: {  	s0 =	sadd.s32 $0x7D0, s0  }
0x68: {  	[spmem:s2] =	stream.indirect.scatter.add.f32 [tilespmem:s17], [sflag:$0x3], $0x90, s0, s16, $0xb8;
	[tilespmem:$0x1DBA0] =	vst v63  }
0x69: {  	_ =	swait.ge [sflag:s22], $0x2D00  }
0x6a: {  	[sflag:s22] =	ssyncset.done $0x0  }
0x6b: {  	[sflag:s22] =	ssyncadd.s32 $0xFFFFD300  }
0x6c: {  	_ =	swait.ge [sflag:s22], $0x500  }
0x6d: {  	[sflag:s22] =	ssyncset.done $0x0  }
0x6e: {  	[sflag:s22] =	ssyncadd.s32 $0xFFFFFB00  }
0x6f: {  	_ =	swait.ge [sflag:s23], $0x2D00  }
0x70: {  	[sflag:s23] =	ssyncset.done $0x0  }
0x71: {  	s31 =	sadd.s32 $0xA0, s30;
	[sflag:s23] =	ssyncadd.s32 $0xFFFFD300  }
0x72: {  	[tilespmem:s17], [sflag:$0x1] =	stream.indirect.gather [hbm4b:s4+s16], $0x90, s31, s16, $0xb8;
	[tilespmem:$0x1DBA0] =	vst v63  }
0x73: {  	s31 =	sadd.s32 $0x870, s30;
	s30 =	simm.s32 $0x0  }
0x74: {  	[tilespmem:s18], [sflag:$0x1] =	stream.indirect.gather [hbm4b:s5+s16], $0x10, s31, s16, $0xb8;
	[tilespmem:$0x1DBA0] =	vst v63  }
.LBB2_8:
0x75: {  	s0 =	sshll.u32 s30, $0x4  }
0x76: {  	v2 =	vor.u32 s0, v0  }
0x77: {  	v1 =	vmul.u32 $0x90, v2  }
0x78: {  	v2 =	vshll.u32 v2, $0x4  }
0x79: {  	v3 =	vadd.s32 $0x81, v1;
	_ =	sdelay $0x3  }
0x7a: {  	v2 =	vld.idx.msk [tilespmem:v2+s21+$0x0], $0xffff  }
0x7b: {  	v3 =	vld.idx.msk [tilespmem:v3+s20+$0x0], $0xffff;
	_ =	sdelay $0x4  }
0x7c: {  	s31 =	simm.s32 $0x0;
	v2 =	vadd.f32 v2, v3  }
0x7d: {  	v3 =	vmov s31  }
0x7e: {  	v3 =	vshrl.u32 v3, $0x3;
	v4 =	vmul.f32 $2.000000030e-01, v2  }
0x7f: {  	v3 =	vshll.u32 v3, $0x3  }
0x80: {  	v11 =	vbroadcast v3, $0x0;
	v2 =	vmax.f32 v2, v4  }
0x81: {  	v2 =	vmul.f32 $1.442695020e+00, v2  }
0x82: {  	v6 =	vor.u32 $0x1, v1;
	v3 =	vadd.s32 v1, v11  }
0x83: {  	v7 =	vor.u32 $0x2, v1;
	v8 =	vadd.s32 v6, v11;
	(erf) = vpow2.f32 v2  }
0x84: {  	v9 =	vor.u32 $0x6, v1;
	v24 =	vadd.s32 v7, v11  }
0x85: {  	s0 =	simm.s32 $0x8;
	v10 =	vor.u32 $0x5, v1;
	v12 =	vadd.s32 v9, v11  }
0x86: {  	v13 =	vor.u32 $0x7, v1;
	v4 =	vadd.s32 v10, v11;
	v2 =	vmov s0  }
0x87: {  	v16 =	vor.u32 $0x3, v1;
	v5 =	vadd.s32 v13, v11;
	v2 =	vshrl.u32 v2, $0x3;
	v31 =	vld.idx.msk [tilespmem:v3+s20+$0x0], $0xffff  }
0x88: {  	v19 =	vor.u32 $0x4, v1;
	v17 =	vadd.s32 v16, v11;
	v2 =	vshll.u32 v2, $0x3;
	v21 =	vld.idx.msk [tilespmem:v8+s20+$0x0], $0xffff  }
0x89: {  	v14 =	vadd.s32 v19, v11;
	v33 =	vld.idx.msk [tilespmem:v24+s20+$0x0], $0xffff;
	v30 =	vbroadcast v2, $0x0  }
0x8a: {  	v29 =	vld.idx.msk [tilespmem:v12+s20+$0x0], $0xffff  }
0x8b: {  	v25 =	vld.idx.msk [tilespmem:v4+s20+$0x0], $0xffff;
	v18 =	vadd.s32 v1, v30  }
0x8c: {  	v26 =	vld.idx.msk [tilespmem:v5+s20+$0x0], $0xffff;
	v23 =	vadd.s32 v6, v30;
	v22 =	vadd.s32 v16, v30;
	v15 =	vadd.s32 v19, v30;
	v2 =	vpop (erf)  }
0x8d: {  	v27 =	vld.idx.msk [tilespmem:v17+s20+$0x0], $0xffff;
	v20 =	vadd.s32 v7, v30;
	v11 =	vadd.s32 v13, v30;
	v32 =	vmul.f32 v21, v2  }
0x8e: {  	v28 =	vld.idx.msk [tilespmem:v14+s20+$0x0], $0xffff;
	v21 =	vadd.s32 v9, v30;
	v31 =	vmul.f32 v31, v2;
	v33 =	vmul.f32 v33, v2  }
.LBB2_9:
0x8f: {  	s0 =	sadd.s32 $0x8, s0;
	v34 =	vadd.s32 v10, v30;
	[tilespmem:v8+s20+$0x0] =	vst.idx.msk $0xffff, v32;
	v29 =	vmul.f32 v29, v2;
	v8 =	vmov v23  }
0x90: {  	v36 =	vmovc v22;
	v32 =	vmov v14;
	v30 =	vmov s0;
	p0 =	slt.u32 s0, $0x88;
	v35 =	vld.idx.msk [tilespmem:v18+s20+$0x0], $0xffff;
	[tilespmem:v24+s20+$0x0] =	vst.idx.msk $0xffff, v33;
	v24 =	vmul.f32 v25, v2  }
0x91: {  	v22 =	vmul.f32 v26, v2;
	v25 =	vshrl.u32 v30, $0x3;
	v33 =	vld.idx.msk [tilespmem:v23+s20+$0x0], $0xffff;
	[tilespmem:v3+s20+$0x0] =	vst.idx.msk $0xffff, v31;
	v3 =	vmov v18  }
0x92: {  	v14 =	vmov v15;
	v27 =	vmul.f32 v27, v2;
	v18 =	vshll.u32 v25, $0x3;
	v37 =	vld.idx.msk [tilespmem:v20+s20+$0x0], $0xffff;
	[tilespmem:v12+s20+$0x0] =	vst.idx.msk $0xffff, v29  }
0x93: {  	v28 =	vmul.f32 v28, v2;
	v30 =	vbroadcast v18, $0x0;
	v29 =	vld.idx.msk [tilespmem:v21+s20+$0x0], $0xffff;
	[tilespmem:v4+s20+$0x0] =	vst.idx.msk $0xffff, v24;
	v4 =	vmov v34  }
.Ltmp2:
0x94: {  	v12 =	vmov v21;
	v25 =	vld.idx.msk [tilespmem:v34+s20+$0x0], $0xffff;
	[tilespmem:v5+s20+$0x0] =	vst.idx.msk $0xffff, v22;
	v24 =	vmov v20;
	v5 =	vmov v11;
	(pc) =	sbr.rel @p0 .LBB2_9-.Ltmp2, $4  }
0x95: {  	v18 =	vadd.s32 v1, v30;
	v23 =	vadd.s32 v6, v30;
	v26 =	vld.idx.msk [tilespmem:v11+s20+$0x0], $0xffff;
	[tilespmem:v17+s20+$0x0] =	vst.idx.msk $0xffff, v27  }
0x96: {  	v22 =	vadd.s32 v16, v30;
	v15 =	vadd.s32 v19, v30;
	v27 =	vld.idx.msk [tilespmem:v36+s20+$0x0], $0xffff;
	[tilespmem:v32+s20+$0x0] =	vst.idx.msk $0xffff, v28  }
0x97: {  	v20 =	vadd.s32 v7, v30;
	v11 =	vadd.s32 v13, v30;
	v32 =	vmul.f32 v33, v2;
	v28 =	vld.idx.msk [tilespmem:v14+s20+$0x0], $0xffff  }
0x98: {  	v21 =	vadd.s32 v9, v30;
	v31 =	vmul.f32 v35, v2;
	v17 =	vmovc v36;
	v33 =	vmul.f32 v37, v2  }
0x99: {  	_ =	sdelay $0x3  }
0x9a: {  	[tilespmem:v8+s20+$0x0] =	vst.idx.msk $0xffff, v32  }
0x9b: {  	v1 =	vadd.s32 v10, v30;
	v6 =	vmul.f32 v29, v2;
	v7 =	vld.idx.msk [tilespmem:v23+s20+$0x0], $0xffff;
	[tilespmem:v24+s20+$0x0] =	vst.idx.msk $0xffff, v33  }
0x9c: {  	v52 =	vmul.f32 v25, v2;
	v9 =	vld.idx.msk [tilespmem:v18+s20+$0x0], $0xffff;
	[tilespmem:v3+s20+$0x0] =	vst.idx.msk $0xffff, v31  }
0x9d: {  	v55 =	vld.idx.msk [tilespmem:v21+s20+$0x0], $0xffff;
	v53 =	vmul.f32 v26, v2;
	[tilespmem:v12+s20+$0x0] =	vst.idx.msk $0xffff, v6  }
0x9e: {  	v3 =	vld.idx.msk [tilespmem:v20+s20+$0x0], $0xffff;
	v54 =	vmul.f32 v27, v2;
	[tilespmem:v4+s20+$0x0] =	vst.idx.msk $0xffff, v52  }
0x9f: {  	v58 =	vld.idx.msk [tilespmem:v11+s20+$0x0], $0xffff;
	v56 =	vmul.f32 v28, v2;
	[tilespmem:v5+s20+$0x0] =	vst.idx.msk $0xffff, v53  }
0xa0: {  	[tilespmem:v17+s20+$0x0] =	vst.idx.msk $0xffff, v54;
	v57 =	vld.idx.msk [tilespmem:v1+s20+$0x0], $0xffff;
	v59 =	vmul.f32 v7, v2  }
0xa1: {  	v60 =	vld.idx.msk [tilespmem:v22+s20+$0x0], $0xffff;
	[tilespmem:v14+s20+$0x0] =	vst.idx.msk $0xffff, v56;
	v9 =	vmul.f32 v9, v2  }
0xa2: {  	v61 =	vld.idx.msk [tilespmem:v15+s20+$0x0], $0xffff;
	v62 =	vmul.f32 v55, v2;
	[tilespmem:v23+s20+$0x0] =	vst.idx.msk $0xffff, v59  }
0xa3: {  	s30 =	sadd.s32 $0x1, s30;
	v3 =	vmul.f32 v3, v2;
	[tilespmem:v18+s20+$0x0] =	vst.idx.msk $0xffff, v9  }
0xa4: {  	p0 =	sne.s32 s30, $0x5;
	v5 =	vmul.f32 v58, v2;
	[tilespmem:v21+s20+$0x0] =	vst.idx.msk $0xffff, v62  }
.Ltmp3:
0xa5: {  	[tilespmem:v20+s20+$0x0] =	vst.idx.msk $0xffff, v3;
	v3 =	vmul.f32 v57, v2;
	(pc) =	sbr.rel @p0 .LBB2_8-.Ltmp3, $4  }
0xa6: {  	v63 =	vmul.f32 v60, v2;
	[tilespmem:v11+s20+$0x0] =	vst.idx.msk $0xffff, v5  }
0xa7: {  	[tilespmem:v1+s20+$0x0] =	vst.idx.msk $0xffff, v3;
	v1 =	vmul.f32 v61, v2  }
0xa8: {  	[tilespmem:v22+s20+$0x0] =	vst.idx.msk $0xffff, v63  }
0xa9: {  	[tilespmem:v15+s20+$0x0] =	vst.idx.msk $0xffff, v1  }
0xaa: {  	s28 =	sadd.s32 $0x1, s28  }
0xab: {  	p0 =	sne.s32 s28, $0xC  }
.Ltmp4:
0xac: {  	_ = 	snop;
	(pc) =	sbr.rel @p0 .LBB2_3-.Ltmp4, $2  }
0xad: {  	_ =	sdelay $0x2  }
0xae: {  	[spmem:s2] =	stream.indirect.scatter.add.f32 [tilespmem:s20], [sflag:$0x4], $0x90, s29, s16, $0xb8;
	[tilespmem:$0x1DBA0] =	vst v63  }
0xaf: {  	_ =	swait.ge [sflag:s19], $0x2D00  }
0xb0: {  	[sflag:s19] =	ssyncset.done $0x0  }
0xb1: {  	[sflag:s19] =	ssyncadd.s32 $0xFFFFD300  }
0xb2: {  	_ =	swait.ge [sflag:s19], $0x500  }
0xb3: {  	[sflag:s19] =	ssyncset.done $0x0  }
0xb4: {  	s28 =	simm.s32 $0x0;
	[sflag:s19] =	ssyncadd.s32 $0xFFFFFB00  }
.LBB2_13:
0xb5: {  	s0 =	sshll.u32 s28, $0x4  }
0xb6: {  	v2 =	vor.u32 s0, v0  }
0xb7: {  	v1 =	vmul.u32 $0x90, v2  }
0xb8: {  	v2 =	vshll.u32 v2, $0x4  }
0xb9: {  	v3 =	vadd.s32 $0x81, v1;
	_ =	sdelay $0x3  }
0xba: {  	v2 =	vld.idx.msk [tilespmem:v2+s18+$0x0], $0xffff  }
0xbb: {  	v3 =	vld.idx.msk [tilespmem:v3+s17+$0x0], $0xffff;
	_ =	sdelay $0x4  }
0xbc: {  	s31 =	simm.s32 $0x0;
	v2 =	vadd.f32 v2, v3  }
0xbd: {  	v3 =	vmov s31  }
0xbe: {  	v3 =	vshrl.u32 v3, $0x3;
	v4 =	vmul.f32 $2.000000030e-01, v2  }
0xbf: {  	v3 =	vshll.u32 v3, $0x3  }
0xc0: {  	v11 =	vbroadcast v3, $0x0;
	v2 =	vmax.f32 v2, v4  }
0xc1: {  	v2 =	vmul.f32 $1.442695020e+00, v2  }
0xc2: {  	v6 =	vor.u32 $0x1, v1;
	v3 =	vadd.s32 v1, v11  }
0xc3: {  	v7 =	vor.u32 $0x2, v1;
	v8 =	vadd.s32 v6, v11;
	(erf) = vpow2.f32 v2  }
0xc4: {  	v9 =	vor.u32 $0x6, v1;
	v24 =	vadd.s32 v7, v11  }
0xc5: {  	s0 =	simm.s32 $0x8;
	v10 =	vor.u32 $0x5, v1;
	v12 =	vadd.s32 v9, v11  }
0xc6: {  	v13 =	vor.u32 $0x7, v1;
	v4 =	vadd.s32 v10, v11;
	v2 =	vmov s0  }
0xc7: {  	v16 =	vor.u32 $0x3, v1;
	v5 =	vadd.s32 v13, v11;
	v2 =	vshrl.u32 v2, $0x3;
	v31 =	vld.idx.msk [tilespmem:v3+s17+$0x0], $0xffff  }
0xc8: {  	v19 =	vor.u32 $0x4, v1;
	v17 =	vadd.s32 v16, v11;
	v2 =	vshll.u32 v2, $0x3;
	v21 =	vld.idx.msk [tilespmem:v8+s17+$0x0], $0xffff  }
0xc9: {  	v14 =	vadd.s32 v19, v11;
	v33 =	vld.idx.msk [tilespmem:v24+s17+$0x0], $0xffff;
	v30 =	vbroadcast v2, $0x0  }
0xca: {  	v29 =	vld.idx.msk [tilespmem:v12+s17+$0x0], $0xffff  }
0xcb: {  	v25 =	vld.idx.msk [tilespmem:v4+s17+$0x0], $0xffff;
	v18 =	vadd.s32 v1, v30  }
0xcc: {  	v26 =	vld.idx.msk [tilespmem:v5+s17+$0x0], $0xffff;
	v23 =	vadd.s32 v6, v30;
	v22 =	vadd.s32 v16, v30;
	v15 =	vadd.s32 v19, v30;
	v2 =	vpop (erf)  }
0xcd: {  	v27 =	vld.idx.msk [tilespmem:v17+s17+$0x0], $0xffff;
	v20 =	vadd.s32 v7, v30;
	v11 =	vadd.s32 v13, v30;
	v32 =	vmul.f32 v21, v2  }
0xce: {  	v28 =	vld.idx.msk [tilespmem:v14+s17+$0x0], $0xffff;
	v21 =	vadd.s32 v9, v30;
	v31 =	vmul.f32 v31, v2;
	v33 =	vmul.f32 v33, v2  }
.LBB2_14:
0xcf: {  	s0 =	sadd.s32 $0x8, s0;
	v34 =	vadd.s32 v10, v30;
	[tilespmem:v8+s17+$0x0] =	vst.idx.msk $0xffff, v32;
	v29 =	vmul.f32 v29, v2;
	v8 =	vmov v23  }
0xd0: {  	v36 =	vmovc v22;
	v32 =	vmov v14;
	v30 =	vmov s0;
	p0 =	slt.u32 s0, $0x88;
	v35 =	vld.idx.msk [tilespmem:v18+s17+$0x0], $0xffff;
	[tilespmem:v24+s17+$0x0] =	vst.idx.msk $0xffff, v33;
	v24 =	vmul.f32 v25, v2  }
0xd1: {  	v22 =	vmul.f32 v26, v2;
	v25 =	vshrl.u32 v30, $0x3;
	v33 =	vld.idx.msk [tilespmem:v23+s17+$0x0], $0xffff;
	[tilespmem:v3+s17+$0x0] =	vst.idx.msk $0xffff, v31;
	v3 =	vmov v18  }
0xd2: {  	v14 =	vmov v15;
	v27 =	vmul.f32 v27, v2;
	v18 =	vshll.u32 v25, $0x3;
	v37 =	vld.idx.msk [tilespmem:v20+s17+$0x0], $0xffff;
	[tilespmem:v12+s17+$0x0] =	vst.idx.msk $0xffff, v29  }
0xd3: {  	v28 =	vmul.f32 v28, v2;
	v30 =	vbroadcast v18, $0x0;
	v29 =	vld.idx.msk [tilespmem:v21+s17+$0x0], $0xffff;
	[tilespmem:v4+s17+$0x0] =	vst.idx.msk $0xffff, v24;
	v4 =	vmov v34  }
.Ltmp5:
0xd4: {  	v12 =	vmov v21;
	v25 =	vld.idx.msk [tilespmem:v34+s17+$0x0], $0xffff;
	[tilespmem:v5+s17+$0x0] =	vst.idx.msk $0xffff, v22;
	v24 =	vmov v20;
	v5 =	vmov v11;
	(pc) =	sbr.rel @p0 .LBB2_14-.Ltmp5, $4  }
0xd5: {  	v18 =	vadd.s32 v1, v30;
	v23 =	vadd.s32 v6, v30;
	v26 =	vld.idx.msk [tilespmem:v11+s17+$0x0], $0xffff;
	[tilespmem:v17+s17+$0x0] =	vst.idx.msk $0xffff, v27  }
0xd6: {  	v22 =	vadd.s32 v16, v30;
	v15 =	vadd.s32 v19, v30;
	v27 =	vld.idx.msk [tilespmem:v36+s17+$0x0], $0xffff;
	[tilespmem:v32+s17+$0x0] =	vst.idx.msk $0xffff, v28  }
0xd7: {  	v20 =	vadd.s32 v7, v30;
	v11 =	vadd.s32 v13, v30;
	v32 =	vmul.f32 v33, v2;
	v28 =	vld.idx.msk [tilespmem:v14+s17+$0x0], $0xffff  }
0xd8: {  	v21 =	vadd.s32 v9, v30;
	v31 =	vmul.f32 v35, v2;
	v17 =	vmovc v36;
	v33 =	vmul.f32 v37, v2  }
0xd9: {  	_ =	sdelay $0x3  }
0xda: {  	[tilespmem:v8+s17+$0x0] =	vst.idx.msk $0xffff, v32  }
0xdb: {  	v1 =	vadd.s32 v10, v30;
	v6 =	vmul.f32 v29, v2;
	v7 =	vld.idx.msk [tilespmem:v23+s17+$0x0], $0xffff;
	[tilespmem:v24+s17+$0x0] =	vst.idx.msk $0xffff, v33  }
0xdc: {  	v52 =	vmul.f32 v25, v2;
	v9 =	vld.idx.msk [tilespmem:v18+s17+$0x0], $0xffff;
	[tilespmem:v3+s17+$0x0] =	vst.idx.msk $0xffff, v31  }
0xdd: {  	v55 =	vld.idx.msk [tilespmem:v21+s17+$0x0], $0xffff;
	v53 =	vmul.f32 v26, v2;
	[tilespmem:v12+s17+$0x0] =	vst.idx.msk $0xffff, v6  }
0xde: {  	v3 =	vld.idx.msk [tilespmem:v20+s17+$0x0], $0xffff;
	v54 =	vmul.f32 v27, v2;
	[tilespmem:v4+s17+$0x0] =	vst.idx.msk $0xffff, v52  }
0xdf: {  	v58 =	vld.idx.msk [tilespmem:v11+s17+$0x0], $0xffff;
	v56 =	vmul.f32 v28, v2;
	[tilespmem:v5+s17+$0x0] =	vst.idx.msk $0xffff, v53  }
0xe0: {  	[tilespmem:v17+s17+$0x0] =	vst.idx.msk $0xffff, v54;
	v57 =	vld.idx.msk [tilespmem:v1+s17+$0x0], $0xffff;
	v59 =	vmul.f32 v7, v2  }
0xe1: {  	v60 =	vld.idx.msk [tilespmem:v22+s17+$0x0], $0xffff;
	[tilespmem:v14+s17+$0x0] =	vst.idx.msk $0xffff, v56;
	v9 =	vmul.f32 v9, v2  }
0xe2: {  	v61 =	vld.idx.msk [tilespmem:v15+s17+$0x0], $0xffff;
	v62 =	vmul.f32 v55, v2;
	[tilespmem:v23+s17+$0x0] =	vst.idx.msk $0xffff, v59  }
0xe3: {  	s28 =	sadd.s32 $0x1, s28;
	v3 =	vmul.f32 v3, v2;
	[tilespmem:v18+s17+$0x0] =	vst.idx.msk $0xffff, v9  }
0xe4: {  	p0 =	sne.s32 s28, $0x5;
	v5 =	vmul.f32 v58, v2;
	[tilespmem:v21+s17+$0x0] =	vst.idx.msk $0xffff, v62  }
.Ltmp6:
0xe5: {  	[tilespmem:v20+s17+$0x0] =	vst.idx.msk $0xffff, v3;
	v3 =	vmul.f32 v57, v2;
	(pc) =	sbr.rel @p0 .LBB2_13-.Ltmp6, $4  }
0xe6: {  	v63 =	vmul.f32 v60, v2;
	[tilespmem:v11+s17+$0x0] =	vst.idx.msk $0xffff, v5  }
0xe7: {  	[tilespmem:v1+s17+$0x0] =	vst.idx.msk $0xffff, v3;
	v1 =	vmul.f32 v61, v2  }
0xe8: {  	[tilespmem:v22+s17+$0x0] =	vst.idx.msk $0xffff, v63  }
0xe9: {  	[tilespmem:v15+s17+$0x0] =	vst.idx.msk $0xffff, v1  }
0xea: {  	_ =	swait.ge [sflag:s24], $0x2D00;
	s26 =	sadd.s32 $0x1, s26  }
0xeb: {  	[sflag:s24] =	ssyncset.done $0x0;
	p0 =	sne.s32 s26, $0x5  }
.Ltmp7:
0xec: {  	[sflag:s24] =	ssyncadd.s32 $0xFFFFD300;
	(pc) =	sbr.rel @p0 .LBB2_2-.Ltmp7, $4  }
0xed: {  	[spmem:s2] =	stream.indirect.scatter.add.f32 [tilespmem:s17], [sflag:$0x3], $0x90, s25, s16, $0xb8;
	[tilespmem:$0x1DBA0] =	vst v63  }
0xee: {  	_ =	swait.ge [sflag:s23], $0x2D00  }
0xef: {  	[sflag:s23] =	ssyncset.done $0x0  }
0xf0: {  	[sflag:s23] =	ssyncadd.s32 $0xFFFFD300  }
0xf1: {  	s3 =	sadd.s32 $0x1, s3  }
0xf2: {  	p0 =	sne.s32 s3, s12  }
.Ltmp8:
0xf3: {  	[bflag:$0x0] =	sbarrier.arrive $0xFFFF;
	(pc) =	sbr.rel @p0 .LBB2_1-.Ltmp8, $4  }
0xf4: {  	[hbm:s11], [sflag:s9] =	dma.local [spmem:s13], $0x2D00  }
0xf5: {  	_ =	swait.ge [sflag:s14], $0x2D00  }
0xf6: {  	[sflag:s14] =	ssyncset.done $0x0  }
0xf7: {  	[sflag:s14] =	ssyncadd.s32 $0xFFFFD300  }
0xf8: {  	_ =	sfence.sel $0x180000  }
0xf9: {  	[bflag:$0x0] =	sbarrier.arrive $0xFFFF  }
0xfa: {  	_ =	strace $0x90000047  }
0xfb: {  	[bflag:$0x2] =	sbarrier.arrive $0xFFFF  }
0xfc: {  	p0 =	sne.s32 s1, $0x0;
	s0 =	rddreg [dreg:$0x2]  }
0xfd: {  	s0 =	sadd.s32 @!p0 $0x100000, s0  }
0xfe: {  	[sflag:s0] =	ssyncadd.tile.s32 @!p0 $0x1;
	_ =	shalt  }
.Lfunc_end2:
_tile_overlayer_lowered:
.L_overlay_start_2:
0xff: {  	(tag) =	ssettag $0x2  }
0x100: {  	s0 =	rddreg [dreg:$0x0];
	s2 =	stileid.u32  }
0x101: {  	s1 =	rddreg [dreg:$0x1];
	p0 =	sne.s32 s2, $0x0  }
0x102: {  	s3 =	rddreg [dreg:$0x2];
	[bflag:$0x3] =	sbarrier.arrive $0xFFFF;
	s2 =	simm.s32 @!p0 $0x1C05  }
0x103: {  	[timem:s3], [sflag:s2] =	dma.local @!p0 [hbm:s0], s1  }
0x104: {  	s0 =	simm.s32 @!p0 $0x5  }
0x105: {  	_ =	swait.ge @!p0 [sflag:s0], s1  }
0x106: {  	s1 =	ssub.s32 @!p0 $0x0, s1;
	[sflag:s0] =	ssyncset.done @!p0 $0x0  }
0x107: {  	[sflag:s0] =	ssyncadd.s32 @!p0 s1  }
0x108: {  	[bflag:$0x3] =	sbarrier.arrive $0xFFFF  }
0x109: {  	_ =	shalt  }

</sc_bundles>
